<compile_context>
chip_gen: v7x
topology: tpu7x:2x2x1
jax: 0.10.2.dev20260603
libtpu: 0.0.44.dev20260713+nightly
codegen_flags: <defaults>
</compile_context>

<pallas_src>
import jax
import jax.numpy as jnp
from jax import lax
from jax.experimental import pallas as pl
from jax.experimental.pallas import tpu as pltpu
from jax.experimental.pallas import tpu_sc as plsc

BATCH = 16384
NROWS = 1000000
D0, D1, D2 = 16, 32, 64
_SEG = ((D0, 0), (D1, D0), (D2, D0 + D1))

_NC = 2
_NS = 16
_NW = _NC * _NS
_BPW = BATCH // _NW
_CHUNK = 128
_NCHUNK = _BPW // _CHUNK
_OSTRIDE = D0 + D1 + D2


def _sc_body(idx_hbm, wcat, o0, o1, o2, idx_v, gbuf, obuf, sa, sb, soa, sob):
    wid = lax.axis_index("s") * _NC + lax.axis_index("c")
    base = wid * _BPW

    pltpu.sync_copy(idx_hbm.at[pl.ds(base, _BPW)], idx_v)

    gsems = (sa, sb)
    osems = (soa, sob)

    def fire(j, slot):
        return pltpu.async_copy(
            wcat.at[idx_v.at[pl.ds(j * _CHUNK, _CHUNK)]],
            gbuf.at[slot], gsems[slot])

    def extract(j, slot):
        def body(k, carry):
            pos = 0
            for (d, col) in _SEG:
                for c in range(d // 16):
                    v = gbuf[slot, k, pl.ds(col + c * 16, 16)]
                    obuf[slot, pl.ds(pos * _CHUNK + k * d + c * 16, 16)] = (
                        jnp.maximum(v, 0.0))
                pos += d
            return carry

        lax.fori_loop(0, _CHUNK, body, 0)
        outs = []
        pos = 0
        for (d, _), o in zip(_SEG, (o0, o1, o2)):
            outs.append(pltpu.async_copy(
                obuf.at[slot, pl.ds(pos * _CHUNK, _CHUNK * d)],
                o.at[pl.ds((base + j * _CHUNK) * d, _CHUNK * d)],
                osems[slot]))
            pos += d
        return outs

    copies = [fire(0, 0), fire(1, 1)]
    outs = [None, None]
    for j in range(_NCHUNK):
        slot = j % 2
        copies[j].wait()
        if outs[slot] is not None:
            for c in outs[slot]:
                c.wait()
        outs[slot] = extract(j, slot)
        if j + 2 < _NCHUNK:
            copies.append(fire(j + 2, slot))
    for group in outs:
        for c in group:
            c.wait()


_gather_relu = pl.kernel(
    _sc_body,
    out_type=(
        jax.ShapeDtypeStruct((BATCH * D0,), jnp.float32),
        jax.ShapeDtypeStruct((BATCH * D1,), jnp.float32),
        jax.ShapeDtypeStruct((BATCH * D2,), jnp.float32),
    ),
    mesh=plsc.VectorSubcoreMesh(core_axis_name="c", subcore_axis_name="s"),
    compiler_params=pltpu.CompilerParams(
        use_tc_tiling_on_sc=True, needs_layout_passes=False),
    scratch_types=[
        pltpu.VMEM((_BPW,), jnp.int32),
        pltpu.VMEM((2, _CHUNK, 128), jnp.float32),
        pltpu.VMEM((2, _CHUNK * _OSTRIDE), jnp.float32),
        pltpu.SemaphoreType.DMA,
        pltpu.SemaphoreType.DMA,
        pltpu.SemaphoreType.DMA,
        pltpu.SemaphoreType.DMA,
    ],
)


def kernel(indices, W0, W1, W2):
    idx = indices.astype(jnp.int32)
    wcat = jnp.pad(jnp.concatenate((W0, W1, W2), axis=1), ((0, 0), (0, 16)))
    f0, f1, f2 = _gather_relu(idx, wcat)
    return (f0.reshape(BATCH, D0), f1.reshape(BATCH, D1),
            f2.reshape(BATCH, D2))

# --- scband reference (transcript-rebuilt; emitter-appended) ---
"""Pipeline reference for scband-tabular-state-net-19842748908189 (READ-ONLY COPY).

The authoritative reference and input builder live on the scoring server;
editing this copy changes nothing except your own understanding.
"""

import jax, jax.numpy as jnp
import numpy as np

DATASET_SIZE = 1000000
BATCH = 16384
STATE_SIZES = (16, 32, 64)


def setup_inputs(seed: int = 0) -> dict:
    key = jax.random.key(seed)
    k_idx, k0, k1, k2 = jax.random.split(key, 4)
    indices = jax.random.randint(k_idx, (BATCH,), 0, DATASET_SIZE, dtype=jnp.int64 if jax.config.jax_enable_x64 else jnp.int32)
    W0 = jax.random.normal(k0, (DATASET_SIZE, STATE_SIZES[0]), dtype=jnp.float32) * 0.02
    W1 = jax.random.normal(k1, (DATASET_SIZE, STATE_SIZES[1]), dtype=jnp.float32) * 0.02
    W2 = jax.random.normal(k2, (DATASET_SIZE, STATE_SIZES[2]), dtype=jnp.float32) * 0.02
    return {"indices": indices, "W0": W0, "W1": W1, "W2": W2}


def reference(indices, W0, W1, W2):
    # TabularStateNet.forward: for each table, Embedding lookup (sparse gather) followed by ReLU
    outs = []
    for W in (W0, W1, W2):
        emb = jnp.take(W, indices, axis=0)  # embedding gather [B, d]
        outs.append(jax.nn.relu(emb))
    return tuple(outs)

if __name__ == "__main__":
    import jax
    _d = setup_inputs()
    print(jax.jit(kernel)(*tuple(_d.values())))

</pallas_src>

<mosaic_0001>
#map = affine_map<(d0, d1) -> (0)>
#map1 = affine_map<(d0, d1) -> (0, 0)>
module attributes {stable_mosaic.version = 14 : i64} {
  func.func @_sc_body(%arg0: i32, %arg1: i32, %arg2: memref<16384xi32, #tpu.memory_space<hbm>>, %arg3: memref<1000000x128xf32, #tpu.memory_space<hbm>>, %arg4: memref<262144xf32, #tpu.memory_space<hbm>>, %arg5: memref<524288xf32, #tpu.memory_space<hbm>>, %arg6: memref<1048576xf32, #tpu.memory_space<hbm>>, %arg7: memref<512xi32, #tpu.memory_space<vmem>>, %arg8: memref<2x128x128xf32, #tpu.memory_space<vmem>>, %arg9: memref<2x14336xf32, #tpu.memory_space<vmem>>, %arg10: memref<!tpu.dma_semaphore, #tpu.memory_space<semaphore_mem>>, %arg11: memref<!tpu.dma_semaphore, #tpu.memory_space<semaphore_mem>>, %arg12: memref<!tpu.dma_semaphore, #tpu.memory_space<semaphore_mem>>, %arg13: memref<!tpu.dma_semaphore, #tpu.memory_space<semaphore_mem>>) attributes {dimension_semantics = [#tpu.dimension_semantics<core_parallel>, #tpu.dimension_semantics<subcore_parallel>], iteration_bounds = array<i64: 2, 16>, scalar_prefetch = 0 : i64, scratch_operands = 7 : i64, tpu.core_type = #tpu.core_type<sc_vector_subcore>, window_params = [{transform_indices = #map}, {transform_indices = #map1}, {transform_indices = #map}, {transform_indices = #map}, {transform_indices = #map}]} {
    %mul3A = arith.constant 2 : i32
    %mul3A_0 = arith.muli %arg1, %mul3A : i32
    %add3A = arith.addi %mul3A_0, %arg0 : i32
    %mul3A_1 = arith.constant 512 : i32
    %mul3A_2 = arith.muli %add3A, %mul3A_1 : i32
    "tpu.region"() ({
      %run_scoped3A = tpu.sem_alloc : memref<!tpu.dma_semaphore, #tpu.memory_space<semaphore_mem>>
      %dma_start3A_368 = tpu.memref_slice %arg2[%mul3A_2] : memref<16384xi32, #tpu.memory_space<hbm>> -> memref<512xi32, #tpu.memory_space<hbm>>
      %dma_start3A_369 = tpu.memref_slice %arg2[%mul3A_2] : memref<16384xi32, #tpu.memory_space<hbm>> -> memref<512xi32, #tpu.memory_space<hbm>>
      tpu.enqueue_dma source(%dma_start3A_369 : memref<512xi32, #tpu.memory_space<hbm>>) target(%arg7 : memref<512xi32, #tpu.memory_space<vmem>>) target_semaphore(%run_scoped3A : memref<!tpu.dma_semaphore, #tpu.memory_space<semaphore_mem>>)
      %dma_wait3A_370 = tpu.memref_slice %arg2[%mul3A_2] : memref<16384xi32, #tpu.memory_space<hbm>> -> memref<512xi32, #tpu.memory_space<hbm>>
      %dma_wait3A_371 = tpu.memref_slice %arg2[%mul3A_2] : memref<16384xi32, #tpu.memory_space<hbm>> -> memref<512xi32, #tpu.memory_space<hbm>>
      tpu.wait_dma2 semaphore(%run_scoped3A : memref<!tpu.dma_semaphore, #tpu.memory_space<semaphore_mem>>) src(%dma_wait3A_371 : memref<512xi32, #tpu.memory_space<hbm>>) dst(%arg7 : memref<512xi32, #tpu.memory_space<vmem>>)
      tpu.yield
    }) : () -> ()
    %dma_start3A = arith.constant 0 : i32
    %dma_start3A_3 = arith.constant 0 : i32
    %dma_start3A_4 = arith.constant 0 : i32
    %dma_start3A_5 = tpu.memref_slice %arg8[%dma_start3A, %dma_start3A_3, %dma_start3A_4] : memref<2x128x128xf32, #tpu.memory_space<vmem>> -> memref<1x128x128xf32, #tpu.memory_space<vmem>>
    %dma_start3A_6 = tpu.memref_squeeze %dma_start3A_5 : memref<1x128x128xf32, #tpu.memory_space<vmem>> -> memref<128x128xf32, #tpu.memory_space<vmem>>
    %dma_start3A_7 = arith.constant 0 : i32
    %dma_start3A_8 = tpu.memref_slice %arg7[%dma_start3A_7] : memref<512xi32, #tpu.memory_space<vmem>> -> memref<128xi32, #tpu.memory_space<vmem>>
    %dma_start3A_9 = arith.constant 0 : i32
    %dma_start3A_10 = arith.constant 0 : i32
    %dma_start3A_11 = tpu.memref_slice %arg3[%dma_start3A_9, %dma_start3A_10] : memref<1000000x128xf32, #tpu.memory_space<hbm>> -> memref<1000000x128xf32, #tpu.memory_space<hbm>>
    tpu.enqueue_indirect_dma source(%dma_start3A_11 : memref<1000000x128xf32, #tpu.memory_space<hbm>>) target(%dma_start3A_6 : memref<128x128xf32, #tpu.memory_space<vmem>>) offsets(%dma_start3A_8 : memref<128xi32, #tpu.memory_space<vmem>>) semaphore(%arg10 : memref<!tpu.dma_semaphore, #tpu.memory_space<semaphore_mem>>)
    %dma_start3A_12 = arith.constant 1 : i32
    %dma_start3A_13 = arith.constant 0 : i32
    %dma_start3A_14 = arith.constant 0 : i32
    %dma_start3A_15 = tpu.memref_slice %arg8[%dma_start3A_12, %dma_start3A_13, %dma_start3A_14] : memref<2x128x128xf32, #tpu.memory_space<vmem>> -> memref<1x128x128xf32, #tpu.memory_space<vmem>>
    %dma_start3A_16 = tpu.memref_squeeze %dma_start3A_15 : memref<1x128x128xf32, #tpu.memory_space<vmem>> -> memref<128x128xf32, #tpu.memory_space<vmem>>
    %dma_start3A_17 = arith.constant 128 : i32
    %dma_start3A_18 = tpu.memref_slice %arg7[%dma_start3A_17] : memref<512xi32, #tpu.memory_space<vmem>> -> memref<128xi32, #tpu.memory_space<vmem>>
    %dma_start3A_19 = arith.constant 0 : i32
    %dma_start3A_20 = arith.constant 0 : i32
    %dma_start3A_21 = tpu.memref_slice %arg3[%dma_start3A_19, %dma_start3A_20] : memref<1000000x128xf32, #tpu.memory_space<hbm>> -> memref<1000000x128xf32, #tpu.memory_space<hbm>>
    tpu.enqueue_indirect_dma source(%dma_start3A_21 : memref<1000000x128xf32, #tpu.memory_space<hbm>>) target(%dma_start3A_16 : memref<128x128xf32, #tpu.memory_space<vmem>>) offsets(%dma_start3A_18 : memref<128xi32, #tpu.memory_space<vmem>>) semaphore(%arg11 : memref<!tpu.dma_semaphore, #tpu.memory_space<semaphore_mem>>)
    %dma_wait3A = arith.constant 0 : i32
    %dma_wait3A_22 = arith.constant 0 : i32
    %dma_wait3A_23 = arith.constant 0 : i32
    %dma_wait3A_24 = tpu.memref_slice %arg8[%dma_wait3A, %dma_wait3A_22, %dma_wait3A_23] : memref<2x128x128xf32, #tpu.memory_space<vmem>> -> memref<1x128x128xf32, #tpu.memory_space<vmem>>
    %dma_wait3A_25 = tpu.memref_squeeze %dma_wait3A_24 : memref<1x128x128xf32, #tpu.memory_space<vmem>> -> memref<128x128xf32, #tpu.memory_space<vmem>>
    %dma_wait3A_26 = arith.constant 0 : i32
    %dma_wait3A_27 = tpu.memref_slice %arg7[%dma_wait3A_26] : memref<512xi32, #tpu.memory_space<vmem>> -> memref<128xi32, #tpu.memory_space<vmem>>
    %dma_wait3A_28 = arith.constant 0 : i32
    %dma_wait3A_29 = arith.constant 0 : i32
    %dma_wait3A_30 = tpu.memref_slice %arg3[%dma_wait3A_28, %dma_wait3A_29] : memref<1000000x128xf32, #tpu.memory_space<hbm>> -> memref<1000000x128xf32, #tpu.memory_space<hbm>>
    tpu.wait_indirect_dma semaphore(%arg10 : memref<!tpu.dma_semaphore, #tpu.memory_space<semaphore_mem>>) src(%dma_wait3A_30 : memref<1000000x128xf32, #tpu.memory_space<hbm>>) dst(%dma_wait3A_25 : memref<128x128xf32, #tpu.memory_space<vmem>>)
    %scan3A = arith.constant 0 : i32
    %scan3A_31 = arith.constant 0 : i32
    %scan3A_32 = arith.constant 128 : i32
    %scan3A_33 = arith.addi %scan3A_31, %scan3A_32 : i32
    %scan3A_34 = arith.constant 1 : i32
    scf.for %scan3A_368 = %scan3A_31 to %scan3A_33 step %scan3A_34  : i32 {
      %get3A = arith.constant 0 : i32
      %get3A_369 = arith.index_cast %get3A : i32 to index
      %get3A_370 = arith.index_cast %scan3A_368 : i32 to index
      %get3A_371 = arith.constant 0 : index
      %get3A_372 = tpu.vector_load %arg8[%get3A_369, %get3A_370, %get3A_371] {strides = array<i32>} : memref<2x128x128xf32, #tpu.memory_space<vmem>>, vector<16xf32>,
      %max3A = arith.constant 0.000000e+00 : f32
      %max3A_373 = vector.broadcast %max3A : f32 to vector<16xf32>
      %max3A_374 = arith.maximumf %get3A_372, %max3A_373 : vector<16xf32>
      %mul3A_375 = arith.constant 16 : i32
      %mul3A_376 = arith.muli %scan3A_368, %mul3A_375 : i32
      %add3A_377 = arith.constant 0 : i32
      %add3A_378 = arith.addi %add3A_377, %mul3A_376 : i32
      %add3A_379 = arith.constant 0 : i32
      %add3A_380 = arith.addi %add3A_378, %add3A_379 : i32
      %swap3A = arith.constant 0 : i32
      %swap3A_381 = arith.index_cast %swap3A : i32 to index
      %swap3A_382 = arith.index_cast %add3A_380 : i32 to index
      %swap3A_383 = tpu.vector_load %arg9[%swap3A_381, %swap3A_382] {strides = array<i32>} : memref<2x14336xf32, #tpu.memory_space<vmem>>, vector<16xf32>,
      tpu.vector_store %arg9[%swap3A_381, %swap3A_382], %max3A_374 {strides = array<i32>} : memref<2x14336xf32, #tpu.memory_space<vmem>>, vector<16xf32>,
      %get3A_384 = arith.constant 0 : i32
      %get3A_385 = arith.index_cast %get3A_384 : i32 to index
      %get3A_386 = arith.index_cast %scan3A_368 : i32 to index
      %get3A_387 = arith.constant 16 : index
      %get3A_388 = tpu.vector_load %arg8[%get3A_385, %get3A_386, %get3A_387] {strides = array<i32>} : memref<2x128x128xf32, #tpu.memory_space<vmem>>, vector<16xf32>,
      %max3A_389 = arith.constant 0.000000e+00 : f32
      %max3A_390 = vector.broadcast %max3A_389 : f32 to vector<16xf32>
      %max3A_391 = arith.maximumf %get3A_388, %max3A_390 : vector<16xf32>
      %mul3A_392 = arith.constant 32 : i32
      %mul3A_393 = arith.muli %scan3A_368, %mul3A_392 : i32
      %add3A_394 = arith.constant 2048 : i32
      %add3A_395 = arith.addi %add3A_394, %mul3A_393 : i32
      %add3A_396 = arith.constant 0 : i32
      %add3A_397 = arith.addi %add3A_395, %add3A_396 : i32
      %swap3A_398 = arith.constant 0 : i32
      %swap3A_399 = arith.index_cast %swap3A_398 : i32 to index
      %swap3A_400 = arith.index_cast %add3A_397 : i32 to index
      %swap3A_401 = tpu.vector_load %arg9[%swap3A_399, %swap3A_400] {strides = array<i32>} : memref<2x14336xf32, #tpu.memory_space<vmem>>, vector<16xf32>,
      tpu.vector_store %arg9[%swap3A_399, %swap3A_400], %max3A_391 {strides = array<i32>} : memref<2x14336xf32, #tpu.memory_space<vmem>>, vector<16xf32>,
      %get3A_402 = arith.constant 0 : i32
      %get3A_403 = arith.index_cast %get3A_402 : i32 to index
      %get3A_404 = arith.index_cast %scan3A_368 : i32 to index
      %get3A_405 = arith.constant 32 : index
      %get3A_406 = tpu.vector_load %arg8[%get3A_403, %get3A_404, %get3A_405] {strides = array<i32>} : memref<2x128x128xf32, #tpu.memory_space<vmem>>, vector<16xf32>,
      %max3A_407 = arith.constant 0.000000e+00 : f32
      %max3A_408 = vector.broadcast %max3A_407 : f32 to vector<16xf32>
      %max3A_409 = arith.maximumf %get3A_406, %max3A_408 : vector<16xf32>
      %mul3A_410 = arith.constant 32 : i32
      %mul3A_411 = arith.muli %scan3A_368, %mul3A_410 : i32
      %add3A_412 = arith.constant 2048 : i32
      %add3A_413 = arith.addi %add3A_412, %mul3A_411 : i32
      %add3A_414 = arith.constant 16 : i32
      %add3A_415 = arith.addi %add3A_413, %add3A_414 : i32
      %swap3A_416 = arith.constant 0 : i32
      %swap3A_417 = arith.index_cast %swap3A_416 : i32 to index
      %swap3A_418 = arith.index_cast %add3A_415 : i32 to index
      %swap3A_419 = tpu.vector_load %arg9[%swap3A_417, %swap3A_418] {strides = array<i32>} : memref<2x14336xf32, #tpu.memory_space<vmem>>, vector<16xf32>,
      tpu.vector_store %arg9[%swap3A_417, %swap3A_418], %max3A_409 {strides = array<i32>} : memref<2x14336xf32, #tpu.memory_space<vmem>>, vector<16xf32>,
      %get3A_420 = arith.constant 0 : i32
      %get3A_421 = arith.index_cast %get3A_420 : i32 to index
      %get3A_422 = arith.index_cast %scan3A_368 : i32 to index
      %get3A_423 = arith.constant 48 : index
      %get3A_424 = tpu.vector_load %arg8[%get3A_421, %get3A_422, %get3A_423] {strides = array<i32>} : memref<2x128x128xf32, #tpu.memory_space<vmem>>, vector<16xf32>,
      %max3A_425 = arith.constant 0.000000e+00 : f32
      %max3A_426 = vector.broadcast %max3A_425 : f32 to vector<16xf32>
      %max3A_427 = arith.maximumf %get3A_424, %max3A_426 : vector<16xf32>
      %mul3A_428 = arith.constant 64 : i32
      %mul3A_429 = arith.muli %scan3A_368, %mul3A_428 : i32
      %add3A_430 = arith.constant 6144 : i32
      %add3A_431 = arith.addi %add3A_430, %mul3A_429 : i32
      %add3A_432 = arith.constant 0 : i32
      %add3A_433 = arith.addi %add3A_431, %add3A_432 : i32
      %swap3A_434 = arith.constant 0 : i32
      %swap3A_435 = arith.index_cast %swap3A_434 : i32 to index
      %swap3A_436 = arith.index_cast %add3A_433 : i32 to index
      %swap3A_437 = tpu.vector_load %arg9[%swap3A_435, %swap3A_436] {strides = array<i32>} : memref<2x14336xf32, #tpu.memory_space<vmem>>, vector<16xf32>,
      tpu.vector_store %arg9[%swap3A_435, %swap3A_436], %max3A_427 {strides = array<i32>} : memref<2x14336xf32, #tpu.memory_space<vmem>>, vector<16xf32>,
      %get3A_438 = arith.constant 0 : i32
      %get3A_439 = arith.index_cast %get3A_438 : i32 to index
      %get3A_440 = arith.index_cast %scan3A_368 : i32 to index
      %get3A_441 = arith.constant 64 : index
      %get3A_442 = tpu.vector_load %arg8[%get3A_439, %get3A_440, %get3A_441] {strides = array<i32>} : memref<2x128x128xf32, #tpu.memory_space<vmem>>, vector<16xf32>,
      %max3A_443 = arith.constant 0.000000e+00 : f32
      %max3A_444 = vector.broadcast %max3A_443 : f32 to vector<16xf32>
      %max3A_445 = arith.maximumf %get3A_442, %max3A_444 : vector<16xf32>
      %mul3A_446 = arith.constant 64 : i32
      %mul3A_447 = arith.muli %scan3A_368, %mul3A_446 : i32
      %add3A_448 = arith.constant 6144 : i32
      %add3A_449 = arith.addi %add3A_448, %mul3A_447 : i32
      %add3A_450 = arith.constant 16 : i32
      %add3A_451 = arith.addi %add3A_449, %add3A_450 : i32
      %swap3A_452 = arith.constant 0 : i32
      %swap3A_453 = arith.index_cast %swap3A_452 : i32 to index
      %swap3A_454 = arith.index_cast %add3A_451 : i32 to index
      %swap3A_455 = tpu.vector_load %arg9[%swap3A_453, %swap3A_454] {strides = array<i32>} : memref<2x14336xf32, #tpu.memory_space<vmem>>, vector<16xf32>,
      tpu.vector_store %arg9[%swap3A_453, %swap3A_454], %max3A_445 {strides = array<i32>} : memref<2x14336xf32, #tpu.memory_space<vmem>>, vector<16xf32>,
      %get3A_456 = arith.constant 0 : i32
      %get3A_457 = arith.index_cast %get3A_456 : i32 to index
      %get3A_458 = arith.index_cast %scan3A_368 : i32 to index
      %get3A_459 = arith.constant 80 : index
      %get3A_460 = tpu.vector_load %arg8[%get3A_457, %get3A_458, %get3A_459] {strides = array<i32>} : memref<2x128x128xf32, #tpu.memory_space<vmem>>, vector<16xf32>,
      %max3A_461 = arith.constant 0.000000e+00 : f32
      %max3A_462 = vector.broadcast %max3A_461 : f32 to vector<16xf32>
      %max3A_463 = arith.maximumf %get3A_460, %max3A_462 : vector<16xf32>
      %mul3A_464 = arith.constant 64 : i32
      %mul3A_465 = arith.muli %scan3A_368, %mul3A_464 : i32
      %add3A_466 = arith.constant 6144 : i32
      %add3A_467 = arith.addi %add3A_466, %mul3A_465 : i32
      %add3A_468 = arith.constant 32 : i32
      %add3A_469 = arith.addi %add3A_467, %add3A_468 : i32
      %swap3A_470 = arith.constant 0 : i32
      %swap3A_471 = arith.index_cast %swap3A_470 : i32 to index
      %swap3A_472 = arith.index_cast %add3A_469 : i32 to index
      %swap3A_473 = tpu.vector_load %arg9[%swap3A_471, %swap3A_472] {strides = array<i32>} : memref<2x14336xf32, #tpu.memory_space<vmem>>, vector<16xf32>,
      tpu.vector_store %arg9[%swap3A_471, %swap3A_472], %max3A_463 {strides = array<i32>} : memref<2x14336xf32, #tpu.memory_space<vmem>>, vector<16xf32>,
      %get3A_474 = arith.constant 0 : i32
      %get3A_475 = arith.index_cast %get3A_474 : i32 to index
      %get3A_476 = arith.index_cast %scan3A_368 : i32 to index
      %get3A_477 = arith.constant 96 : index
      %get3A_478 = tpu.vector_load %arg8[%get3A_475, %get3A_476, %get3A_477] {strides = array<i32>} : memref<2x128x128xf32, #tpu.memory_space<vmem>>, vector<16xf32>,
      %max3A_479 = arith.constant 0.000000e+00 : f32
      %max3A_480 = vector.broadcast %max3A_479 : f32 to vector<16xf32>
      %max3A_481 = arith.maximumf %get3A_478, %max3A_480 : vector<16xf32>
      %mul3A_482 = arith.constant 64 : i32
      %mul3A_483 = arith.muli %scan3A_368, %mul3A_482 : i32
      %add3A_484 = arith.constant 6144 : i32
      %add3A_485 = arith.addi %add3A_484, %mul3A_483 : i32
      %add3A_486 = arith.constant 48 : i32
      %add3A_487 = arith.addi %add3A_485, %add3A_486 : i32
      %swap3A_488 = arith.constant 0 : i32
      %swap3A_489 = arith.index_cast %swap3A_488 : i32 to index
      %swap3A_490 = arith.index_cast %add3A_487 : i32 to index
      %swap3A_491 = tpu.vector_load %arg9[%swap3A_489, %swap3A_490] {strides = array<i32>} : memref<2x14336xf32, #tpu.memory_space<vmem>>, vector<16xf32>,
      tpu.vector_store %arg9[%swap3A_489, %swap3A_490], %max3A_481 {strides = array<i32>} : memref<2x14336xf32, #tpu.memory_space<vmem>>, vector<16xf32>,
    }
    %scan3A_35 = arith.constant 128 : i32
    %add3A_36 = arith.constant 0 : i32
    %add3A_37 = arith.addi %mul3A_2, %add3A_36 : i32
    %mul3A_38 = arith.constant 16 : i32
    %mul3A_39 = arith.muli %add3A_37, %mul3A_38 : i32
    %dma_start3A_40 = arith.constant 0 : i32
    %dma_start3A_41 = arith.constant 0 : i32
    %dma_start3A_42 = tpu.memref_slice %arg9[%dma_start3A_40, %dma_start3A_41] : memref<2x14336xf32, #tpu.memory_space<vmem>> -> memref<1x2048xf32, #tpu.memory_space<vmem>>
    %dma_start3A_43 = tpu.memref_squeeze %dma_start3A_42 : memref<1x2048xf32, #tpu.memory_space<vmem>> -> memref<2048xf32, #tpu.memory_space<vmem>>
    %dma_start3A_44 = tpu.memref_slice %arg4[%mul3A_39] : memref<262144xf32, #tpu.memory_space<hbm>> -> memref<2048xf32, #tpu.memory_space<hbm>>
    %dma_start3A_45 = tpu.memref_slice %arg4[%mul3A_39] : memref<262144xf32, #tpu.memory_space<hbm>> -> memref<2048xf32, #tpu.memory_space<hbm>>
    %dma_start3A_46 = arith.constant 0 : i32
    %dma_start3A_47 = tpu.memref_slice %arg9[%dma_start3A_40, %dma_start3A_46] : memref<2x14336xf32, #tpu.memory_space<vmem>> -> memref<1x2048xf32, #tpu.memory_space<vmem>>
    %dma_start3A_48 = tpu.memref_squeeze %dma_start3A_47 : memref<1x2048xf32, #tpu.memory_space<vmem>> -> memref<2048xf32, #tpu.memory_space<vmem>>
    tpu.enqueue_dma source(%dma_start3A_48 : memref<2048xf32, #tpu.memory_space<vmem>>) target(%dma_start3A_45 : memref<2048xf32, #tpu.memory_space<hbm>>) target_semaphore(%arg12 : memref<!tpu.dma_semaphore, #tpu.memory_space<semaphore_mem>>)
    %add3A_49 = arith.constant 0 : i32
    %add3A_50 = arith.addi %mul3A_2, %add3A_49 : i32
    %mul3A_51 = arith.constant 32 : i32
    %mul3A_52 = arith.muli %add3A_50, %mul3A_51 : i32
    %dma_start3A_53 = arith.constant 0 : i32
    %dma_start3A_54 = arith.constant 2048 : i32
    %dma_start3A_55 = tpu.memref_slice %arg9[%dma_start3A_53, %dma_start3A_54] : memref<2x14336xf32, #tpu.memory_space<vmem>> -> memref<1x4096xf32, #tpu.memory_space<vmem>>
    %dma_start3A_56 = tpu.memref_squeeze %dma_start3A_55 : memref<1x4096xf32, #tpu.memory_space<vmem>> -> memref<4096xf32, #tpu.memory_space<vmem>>
    %dma_start3A_57 = tpu.memref_slice %arg5[%mul3A_52] : memref<524288xf32, #tpu.memory_space<hbm>> -> memref<4096xf32, #tpu.memory_space<hbm>>
    %dma_start3A_58 = tpu.memref_slice %arg5[%mul3A_52] : memref<524288xf32, #tpu.memory_space<hbm>> -> memref<4096xf32, #tpu.memory_space<hbm>>
    %dma_start3A_59 = arith.constant 2048 : i32
    %dma_start3A_60 = tpu.memref_slice %arg9[%dma_start3A_53, %dma_start3A_59] : memref<2x14336xf32, #tpu.memory_space<vmem>> -> memref<1x4096xf32, #tpu.memory_space<vmem>>
    %dma_start3A_61 = tpu.memref_squeeze %dma_start3A_60 : memref<1x4096xf32, #tpu.memory_space<vmem>> -> memref<4096xf32, #tpu.memory_space<vmem>>
    tpu.enqueue_dma source(%dma_start3A_61 : memref<4096xf32, #tpu.memory_space<vmem>>) target(%dma_start3A_58 : memref<4096xf32, #tpu.memory_space<hbm>>) target_semaphore(%arg12 : memref<!tpu.dma_semaphore, #tpu.memory_space<semaphore_mem>>)
    %add3A_62 = arith.constant 0 : i32
    %add3A_63 = arith.addi %mul3A_2, %add3A_62 : i32
    %mul3A_64 = arith.constant 64 : i32
    %mul3A_65 = arith.muli %add3A_63, %mul3A_64 : i32
    %dma_start3A_66 = arith.constant 0 : i32
    %dma_start3A_67 = arith.constant 6144 : i32
    %dma_start3A_68 = tpu.memref_slice %arg9[%dma_start3A_66, %dma_start3A_67] : memref<2x14336xf32, #tpu.memory_space<vmem>> -> memref<1x8192xf32, #tpu.memory_space<vmem>>
    %dma_start3A_69 = tpu.memref_squeeze %dma_start3A_68 : memref<1x8192xf32, #tpu.memory_space<vmem>> -> memref<8192xf32, #tpu.memory_space<vmem>>
    %dma_start3A_70 = tpu.memref_slice %arg6[%mul3A_65] : memref<1048576xf32, #tpu.memory_space<hbm>> -> memref<8192xf32, #tpu.memory_space<hbm>>
    %dma_start3A_71 = tpu.memref_slice %arg6[%mul3A_65] : memref<1048576xf32, #tpu.memory_space<hbm>> -> memref<8192xf32, #tpu.memory_space<hbm>>
    %dma_start3A_72 = arith.constant 6144 : i32
    %dma_start3A_73 = tpu.memref_slice %arg9[%dma_start3A_66, %dma_start3A_72] : memref<2x14336xf32, #tpu.memory_space<vmem>> -> memref<1x8192xf32, #tpu.memory_space<vmem>>
    %dma_start3A_74 = tpu.memref_squeeze %dma_start3A_73 : memref<1x8192xf32, #tpu.memory_space<vmem>> -> memref<8192xf32, #tpu.memory_space<vmem>>
    tpu.enqueue_dma source(%dma_start3A_74 : memref<8192xf32, #tpu.memory_space<vmem>>) target(%dma_start3A_71 : memref<8192xf32, #tpu.memory_space<hbm>>) target_semaphore(%arg12 : memref<!tpu.dma_semaphore, #tpu.memory_space<semaphore_mem>>)
    %dma_start3A_75 = arith.constant 0 : i32
    %dma_start3A_76 = arith.constant 0 : i32
    %dma_start3A_77 = arith.constant 0 : i32
    %dma_start3A_78 = tpu.memref_slice %arg8[%dma_start3A_75, %dma_start3A_76, %dma_start3A_77] : memref<2x128x128xf32, #tpu.memory_space<vmem>> -> memref<1x128x128xf32, #tpu.memory_space<vmem>>
    %dma_start3A_79 = tpu.memref_squeeze %dma_start3A_78 : memref<1x128x128xf32, #tpu.memory_space<vmem>> -> memref<128x128xf32, #tpu.memory_space<vmem>>
    %dma_start3A_80 = arith.constant 256 : i32
    %dma_start3A_81 = tpu.memref_slice %arg7[%dma_start3A_80] : memref<512xi32, #tpu.memory_space<vmem>> -> memref<128xi32, #tpu.memory_space<vmem>>
    %dma_start3A_82 = arith.constant 0 : i32
    %dma_start3A_83 = arith.constant 0 : i32
    %dma_start3A_84 = tpu.memref_slice %arg3[%dma_start3A_82, %dma_start3A_83] : memref<1000000x128xf32, #tpu.memory_space<hbm>> -> memref<1000000x128xf32, #tpu.memory_space<hbm>>
    tpu.enqueue_indirect_dma source(%dma_start3A_84 : memref<1000000x128xf32, #tpu.memory_space<hbm>>) target(%dma_start3A_79 : memref<128x128xf32, #tpu.memory_space<vmem>>) offsets(%dma_start3A_81 : memref<128xi32, #tpu.memory_space<vmem>>) semaphore(%arg10 : memref<!tpu.dma_semaphore, #tpu.memory_space<semaphore_mem>>)
    %dma_wait3A_85 = arith.constant 1 : i32
    %dma_wait3A_86 = arith.constant 0 : i32
    %dma_wait3A_87 = arith.constant 0 : i32
    %dma_wait3A_88 = tpu.memref_slice %arg8[%dma_wait3A_85, %dma_wait3A_86, %dma_wait3A_87] : memref<2x128x128xf32, #tpu.memory_space<vmem>> -> memref<1x128x128xf32, #tpu.memory_space<vmem>>
    %dma_wait3A_89 = tpu.memref_squeeze %dma_wait3A_88 : memref<1x128x128xf32, #tpu.memory_space<vmem>> -> memref<128x128xf32, #tpu.memory_space<vmem>>
    %dma_wait3A_90 = arith.constant 128 : i32
    %dma_wait3A_91 = tpu.memref_slice %arg7[%dma_wait3A_90] : memref<512xi32, #tpu.memory_space<vmem>> -> memref<128xi32, #tpu.memory_space<vmem>>
    %dma_wait3A_92 = arith.constant 0 : i32
    %dma_wait3A_93 = arith.constant 0 : i32
    %dma_wait3A_94 = tpu.memref_slice %arg3[%dma_wait3A_92, %dma_wait3A_93] : memref<1000000x128xf32, #tpu.memory_space<hbm>> -> memref<1000000x128xf32, #tpu.memory_space<hbm>>
    tpu.wait_indirect_dma semaphore(%arg11 : memref<!tpu.dma_semaphore, #tpu.memory_space<semaphore_mem>>) src(%dma_wait3A_94 : memref<1000000x128xf32, #tpu.memory_space<hbm>>) dst(%dma_wait3A_89 : memref<128x128xf32, #tpu.memory_space<vmem>>)
    %scan3A_95 = arith.constant 0 : i32
    %scan3A_96 = arith.constant 0 : i32
    %scan3A_97 = arith.constant 128 : i32
    %scan3A_98 = arith.addi %scan3A_96, %scan3A_97 : i32
    %scan3A_99 = arith.constant 1 : i32
    scf.for %scan3A_368 = %scan3A_96 to %scan3A_98 step %scan3A_99  : i32 {
      %get3A = arith.constant 1 : i32
      %get3A_369 = arith.index_cast %get3A : i32 to index
      %get3A_370 = arith.index_cast %scan3A_368 : i32 to index
      %get3A_371 = arith.constant 0 : index
      %get3A_372 = tpu.vector_load %arg8[%get3A_369, %get3A_370, %get3A_371] {strides = array<i32>} : memref<2x128x128xf32, #tpu.memory_space<vmem>>, vector<16xf32>,
      %max3A = arith.constant 0.000000e+00 : f32
      %max3A_373 = vector.broadcast %max3A : f32 to vector<16xf32>
      %max3A_374 = arith.maximumf %get3A_372, %max3A_373 : vector<16xf32>
      %mul3A_375 = arith.constant 16 : i32
      %mul3A_376 = arith.muli %scan3A_368, %mul3A_375 : i32
      %add3A_377 = arith.constant 0 : i32
      %add3A_378 = arith.addi %add3A_377, %mul3A_376 : i32
      %add3A_379 = arith.constant 0 : i32
      %add3A_380 = arith.addi %add3A_378, %add3A_379 : i32
      %swap3A = arith.constant 1 : i32
      %swap3A_381 = arith.index_cast %swap3A : i32 to index
      %swap3A_382 = arith.index_cast %add3A_380 : i32 to index
      %swap3A_383 = tpu.vector_load %arg9[%swap3A_381, %swap3A_382] {strides = array<i32>} : memref<2x14336xf32, #tpu.memory_space<vmem>>, vector<16xf32>,
      tpu.vector_store %arg9[%swap3A_381, %swap3A_382], %max3A_374 {strides = array<i32>} : memref<2x14336xf32, #tpu.memory_space<vmem>>, vector<16xf32>,
      %get3A_384 = arith.constant 1 : i32
      %get3A_385 = arith.index_cast %get3A_384 : i32 to index
      %get3A_386 = arith.index_cast %scan3A_368 : i32 to index
      %get3A_387 = arith.constant 16 : index
      %get3A_388 = tpu.vector_load %arg8[%get3A_385, %get3A_386, %get3A_387] {strides = array<i32>} : memref<2x128x128xf32, #tpu.memory_space<vmem>>, vector<16xf32>,
      %max3A_389 = arith.constant 0.000000e+00 : f32
      %max3A_390 = vector.broadcast %max3A_389 : f32 to vector<16xf32>
      %max3A_391 = arith.maximumf %get3A_388, %max3A_390 : vector<16xf32>
      %mul3A_392 = arith.constant 32 : i32
      %mul3A_393 = arith.muli %scan3A_368, %mul3A_392 : i32
      %add3A_394 = arith.constant 2048 : i32
      %add3A_395 = arith.addi %add3A_394, %mul3A_393 : i32
      %add3A_396 = arith.constant 0 : i32
      %add3A_397 = arith.addi %add3A_395, %add3A_396 : i32
      %swap3A_398 = arith.constant 1 : i32
      %swap3A_399 = arith.index_cast %swap3A_398 : i32 to index
      %swap3A_400 = arith.index_cast %add3A_397 : i32 to index
      %swap3A_401 = tpu.vector_load %arg9[%swap3A_399, %swap3A_400] {strides = array<i32>} : memref<2x14336xf32, #tpu.memory_space<vmem>>, vector<16xf32>,
      tpu.vector_store %arg9[%swap3A_399, %swap3A_400], %max3A_391 {strides = array<i32>} : memref<2x14336xf32, #tpu.memory_space<vmem>>, vector<16xf32>,
      %get3A_402 = arith.constant 1 : i32
      %get3A_403 = arith.index_cast %get3A_402 : i32 to index
      %get3A_404 = arith.index_cast %scan3A_368 : i32 to index
      %get3A_405 = arith.constant 32 : index
      %get3A_406 = tpu.vector_load %arg8[%get3A_403, %get3A_404, %get3A_405] {strides = array<i32>} : memref<2x128x128xf32, #tpu.memory_space<vmem>>, vector<16xf32>,
      %max3A_407 = arith.constant 0.000000e+00 : f32
      %max3A_408 = vector.broadcast %max3A_407 : f32 to vector<16xf32>
      %max3A_409 = arith.maximumf %get3A_406, %max3A_408 : vector<16xf32>
      %mul3A_410 = arith.constant 32 : i32
      %mul3A_411 = arith.muli %scan3A_368, %mul3A_410 : i32
      %add3A_412 = arith.constant 2048 : i32
      %add3A_413 = arith.addi %add3A_412, %mul3A_411 : i32
      %add3A_414 = arith.constant 16 : i32
      %add3A_415 = arith.addi %add3A_413, %add3A_414 : i32
      %swap3A_416 = arith.constant 1 : i32
      %swap3A_417 = arith.index_cast %swap3A_416 : i32 to index
      %swap3A_418 = arith.index_cast %add3A_415 : i32 to index
      %swap3A_419 = tpu.vector_load %arg9[%swap3A_417, %swap3A_418] {strides = array<i32>} : memref<2x14336xf32, #tpu.memory_space<vmem>>, vector<16xf32>,
      tpu.vector_store %arg9[%swap3A_417, %swap3A_418], %max3A_409 {strides = array<i32>} : memref<2x14336xf32, #tpu.memory_space<vmem>>, vector<16xf32>,
      %get3A_420 = arith.constant 1 : i32
      %get3A_421 = arith.index_cast %get3A_420 : i32 to index
      %get3A_422 = arith.index_cast %scan3A_368 : i32 to index
      %get3A_423 = arith.constant 48 : index
      %get3A_424 = tpu.vector_load %arg8[%get3A_421, %get3A_422, %get3A_423] {strides = array<i32>} : memref<2x128x128xf32, #tpu.memory_space<vmem>>, vector<16xf32>,
      %max3A_425 = arith.constant 0.000000e+00 : f32
      %max3A_426 = vector.broadcast %max3A_425 : f32 to vector<16xf32>
      %max3A_427 = arith.maximumf %get3A_424, %max3A_426 : vector<16xf32>
      %mul3A_428 = arith.constant 64 : i32
      %mul3A_429 = arith.muli %scan3A_368, %mul3A_428 : i32
      %add3A_430 = arith.constant 6144 : i32
      %add3A_431 = arith.addi %add3A_430, %mul3A_429 : i32
      %add3A_432 = arith.constant 0 : i32
      %add3A_433 = arith.addi %add3A_431, %add3A_432 : i32
      %swap3A_434 = arith.constant 1 : i32
      %swap3A_435 = arith.index_cast %swap3A_434 : i32 to index
      %swap3A_436 = arith.index_cast %add3A_433 : i32 to index
      %swap3A_437 = tpu.vector_load %arg9[%swap3A_435, %swap3A_436] {strides = array<i32>} : memref<2x14336xf32, #tpu.memory_space<vmem>>, vector<16xf32>,
      tpu.vector_store %arg9[%swap3A_435, %swap3A_436], %max3A_427 {strides = array<i32>} : memref<2x14336xf32, #tpu.memory_space<vmem>>, vector<16xf32>,
      %get3A_438 = arith.constant 1 : i32
      %get3A_439 = arith.index_cast %get3A_438 : i32 to index
      %get3A_440 = arith.index_cast %scan3A_368 : i32 to index
      %get3A_441 = arith.constant 64 : index
      %get3A_442 = tpu.vector_load %arg8[%get3A_439, %get3A_440, %get3A_441] {strides = array<i32>} : memref<2x128x128xf32, #tpu.memory_space<vmem>>, vector<16xf32>,
      %max3A_443 = arith.constant 0.000000e+00 : f32
      %max3A_444 = vector.broadcast %max3A_443 : f32 to vector<16xf32>
      %max3A_445 = arith.maximumf %get3A_442, %max3A_444 : vector<16xf32>
      %mul3A_446 = arith.constant 64 : i32
      %mul3A_447 = arith.muli %scan3A_368, %mul3A_446 : i32
      %add3A_448 = arith.constant 6144 : i32
      %add3A_449 = arith.addi %add3A_448, %mul3A_447 : i32
      %add3A_450 = arith.constant 16 : i32
      %add3A_451 = arith.addi %add3A_449, %add3A_450 : i32
      %swap3A_452 = arith.constant 1 : i32
      %swap3A_453 = arith.index_cast %swap3A_452 : i32 to index
      %swap3A_454 = arith.index_cast %add3A_451 : i32 to index
      %swap3A_455 = tpu.vector_load %arg9[%swap3A_453, %swap3A_454] {strides = array<i32>} : memref<2x14336xf32, #tpu.memory_space<vmem>>, vector<16xf32>,
      tpu.vector_store %arg9[%swap3A_453, %swap3A_454], %max3A_445 {strides = array<i32>} : memref<2x14336xf32, #tpu.memory_space<vmem>>, vector<16xf32>,
      %get3A_456 = arith.constant 1 : i32
      %get3A_457 = arith.index_cast %get3A_456 : i32 to index
      %get3A_458 = arith.index_cast %scan3A_368 : i32 to index
      %get3A_459 = arith.constant 80 : index
      %get3A_460 = tpu.vector_load %arg8[%get3A_457, %get3A_458, %get3A_459] {strides = array<i32>} : memref<2x128x128xf32, #tpu.memory_space<vmem>>, vector<16xf32>,
      %max3A_461 = arith.constant 0.000000e+00 : f32
      %max3A_462 = vector.broadcast %max3A_461 : f32 to vector<16xf32>
      %max3A_463 = arith.maximumf %get3A_460, %max3A_462 : vector<16xf32>
      %mul3A_464 = arith.constant 64 : i32
      %mul3A_465 = arith.muli %scan3A_368, %mul3A_464 : i32
      %add3A_466 = arith.constant 6144 : i32
      %add3A_467 = arith.addi %add3A_466, %mul3A_465 : i32
      %add3A_468 = arith.constant 32 : i32
      %add3A_469 = arith.addi %add3A_467, %add3A_468 : i32
      %swap3A_470 = arith.constant 1 : i32
      %swap3A_471 = arith.index_cast %swap3A_470 : i32 to index
      %swap3A_472 = arith.index_cast %add3A_469 : i32 to index
      %swap3A_473 = tpu.vector_load %arg9[%swap3A_471, %swap3A_472] {strides = array<i32>} : memref<2x14336xf32, #tpu.memory_space<vmem>>, vector<16xf32>,
      tpu.vector_store %arg9[%swap3A_471, %swap3A_472], %max3A_463 {strides = array<i32>} : memref<2x14336xf32, #tpu.memory_space<vmem>>, vector<16xf32>,
      %get3A_474 = arith.constant 1 : i32
      %get3A_475 = arith.index_cast %get3A_474 : i32 to index
      %get3A_476 = arith.index_cast %scan3A_368 : i32 to index
      %get3A_477 = arith.constant 96 : index
      %get3A_478 = tpu.vector_load %arg8[%get3A_475, %get3A_476, %get3A_477] {strides = array<i32>} : memref<2x128x128xf32, #tpu.memory_space<vmem>>, vector<16xf32>,
      %max3A_479 = arith.constant 0.000000e+00 : f32
      %max3A_480 = vector.broadcast %max3A_479 : f32 to vector<16xf32>
      %max3A_481 = arith.maximumf %get3A_478, %max3A_480 : vector<16xf32>
      %mul3A_482 = arith.constant 64 : i32
      %mul3A_483 = arith.muli %scan3A_368, %mul3A_482 : i32
      %add3A_484 = arith.constant 6144 : i32
      %add3A_485 = arith.addi %add3A_484, %mul3A_483 : i32
      %add3A_486 = arith.constant 48 : i32
      %add3A_487 = arith.addi %add3A_485, %add3A_486 : i32
      %swap3A_488 = arith.constant 1 : i32
      %swap3A_489 = arith.index_cast %swap3A_488 : i32 to index
      %swap3A_490 = arith.index_cast %add3A_487 : i32 to index
      %swap3A_491 = tpu.vector_load %arg9[%swap3A_489, %swap3A_490] {strides = array<i32>} : memref<2x14336xf32, #tpu.memory_space<vmem>>, vector<16xf32>,
      tpu.vector_store %arg9[%swap3A_489, %swap3A_490], %max3A_481 {strides = array<i32>} : memref<2x14336xf32, #tpu.memory_space<vmem>>, vector<16xf32>,
    }
    %scan3A_100 = arith.constant 128 : i32
    %add3A_101 = arith.constant 128 : i32
    %add3A_102 = arith.addi %mul3A_2, %add3A_101 : i32
    %mul3A_103 = arith.constant 16 : i32
    %mul3A_104 = arith.muli %add3A_102, %mul3A_103 : i32
    %dma_start3A_105 = arith.constant 1 : i32
    %dma_start3A_106 = arith.constant 0 : i32
    %dma_start3A_107 = tpu.memref_slice %arg9[%dma_start3A_105, %dma_start3A_106] : memref<2x14336xf32, #tpu.memory_space<vmem>> -> memref<1x2048xf32, #tpu.memory_space<vmem>>
    %dma_start3A_108 = tpu.memref_squeeze %dma_start3A_107 : memref<1x2048xf32, #tpu.memory_space<vmem>> -> memref<2048xf32, #tpu.memory_space<vmem>>
    %dma_start3A_109 = tpu.memref_slice %arg4[%mul3A_104] : memref<262144xf32, #tpu.memory_space<hbm>> -> memref<2048xf32, #tpu.memory_space<hbm>>
    %dma_start3A_110 = tpu.memref_slice %arg4[%mul3A_104] : memref<262144xf32, #tpu.memory_space<hbm>> -> memref<2048xf32, #tpu.memory_space<hbm>>
    %dma_start3A_111 = arith.constant 0 : i32
    %dma_start3A_112 = tpu.memref_slice %arg9[%dma_start3A_105, %dma_start3A_111] : memref<2x14336xf32, #tpu.memory_space<vmem>> -> memref<1x2048xf32, #tpu.memory_space<vmem>>
    %dma_start3A_113 = tpu.memref_squeeze %dma_start3A_112 : memref<1x2048xf32, #tpu.memory_space<vmem>> -> memref<2048xf32, #tpu.memory_space<vmem>>
    tpu.enqueue_dma source(%dma_start3A_113 : memref<2048xf32, #tpu.memory_space<vmem>>) target(%dma_start3A_110 : memref<2048xf32, #tpu.memory_space<hbm>>) target_semaphore(%arg13 : memref<!tpu.dma_semaphore, #tpu.memory_space<semaphore_mem>>)
    %add3A_114 = arith.constant 128 : i32
    %add3A_115 = arith.addi %mul3A_2, %add3A_114 : i32
    %mul3A_116 = arith.constant 32 : i32
    %mul3A_117 = arith.muli %add3A_115, %mul3A_116 : i32
    %dma_start3A_118 = arith.constant 1 : i32
    %dma_start3A_119 = arith.constant 2048 : i32
    %dma_start3A_120 = tpu.memref_slice %arg9[%dma_start3A_118, %dma_start3A_119] : memref<2x14336xf32, #tpu.memory_space<vmem>> -> memref<1x4096xf32, #tpu.memory_space<vmem>>
    %dma_start3A_121 = tpu.memref_squeeze %dma_start3A_120 : memref<1x4096xf32, #tpu.memory_space<vmem>> -> memref<4096xf32, #tpu.memory_space<vmem>>
    %dma_start3A_122 = tpu.memref_slice %arg5[%mul3A_117] : memref<524288xf32, #tpu.memory_space<hbm>> -> memref<4096xf32, #tpu.memory_space<hbm>>
    %dma_start3A_123 = tpu.memref_slice %arg5[%mul3A_117] : memref<524288xf32, #tpu.memory_space<hbm>> -> memref<4096xf32, #tpu.memory_space<hbm>>
    %dma_start3A_124 = arith.constant 2048 : i32
    %dma_start3A_125 = tpu.memref_slice %arg9[%dma_start3A_118, %dma_start3A_124] : memref<2x14336xf32, #tpu.memory_space<vmem>> -> memref<1x4096xf32, #tpu.memory_space<vmem>>
    %dma_start3A_126 = tpu.memref_squeeze %dma_start3A_125 : memref<1x4096xf32, #tpu.memory_space<vmem>> -> memref<4096xf32, #tpu.memory_space<vmem>>
    tpu.enqueue_dma source(%dma_start3A_126 : memref<4096xf32, #tpu.memory_space<vmem>>) target(%dma_start3A_123 : memref<4096xf32, #tpu.memory_space<hbm>>) target_semaphore(%arg13 : memref<!tpu.dma_semaphore, #tpu.memory_space<semaphore_mem>>)
    %add3A_127 = arith.constant 128 : i32
    %add3A_128 = arith.addi %mul3A_2, %add3A_127 : i32
    %mul3A_129 = arith.constant 64 : i32
    %mul3A_130 = arith.muli %add3A_128, %mul3A_129 : i32
    %dma_start3A_131 = arith.constant 1 : i32
    %dma_start3A_132 = arith.constant 6144 : i32
    %dma_start3A_133 = tpu.memref_slice %arg9[%dma_start3A_131, %dma_start3A_132] : memref<2x14336xf32, #tpu.memory_space<vmem>> -> memref<1x8192xf32, #tpu.memory_space<vmem>>
    %dma_start3A_134 = tpu.memref_squeeze %dma_start3A_133 : memref<1x8192xf32, #tpu.memory_space<vmem>> -> memref<8192xf32, #tpu.memory_space<vmem>>
    %dma_start3A_135 = tpu.memref_slice %arg6[%mul3A_130] : memref<1048576xf32, #tpu.memory_space<hbm>> -> memref<8192xf32, #tpu.memory_space<hbm>>
    %dma_start3A_136 = tpu.memref_slice %arg6[%mul3A_130] : memref<1048576xf32, #tpu.memory_space<hbm>> -> memref<8192xf32, #tpu.memory_space<hbm>>
    %dma_start3A_137 = arith.constant 6144 : i32
    %dma_start3A_138 = tpu.memref_slice %arg9[%dma_start3A_131, %dma_start3A_137] : memref<2x14336xf32, #tpu.memory_space<vmem>> -> memref<1x8192xf32, #tpu.memory_space<vmem>>
    %dma_start3A_139 = tpu.memref_squeeze %dma_start3A_138 : memref<1x8192xf32, #tpu.memory_space<vmem>> -> memref<8192xf32, #tpu.memory_space<vmem>>
    tpu.enqueue_dma source(%dma_start3A_139 : memref<8192xf32, #tpu.memory_space<vmem>>) target(%dma_start3A_136 : memref<8192xf32, #tpu.memory_space<hbm>>) target_semaphore(%arg13 : memref<!tpu.dma_semaphore, #tpu.memory_space<semaphore_mem>>)
    %dma_start3A_140 = arith.constant 1 : i32
    %dma_start3A_141 = arith.constant 0 : i32
    %dma_start3A_142 = arith.constant 0 : i32
    %dma_start3A_143 = tpu.memref_slice %arg8[%dma_start3A_140, %dma_start3A_141, %dma_start3A_142] : memref<2x128x128xf32, #tpu.memory_space<vmem>> -> memref<1x128x128xf32, #tpu.memory_space<vmem>>
    %dma_start3A_144 = tpu.memref_squeeze %dma_start3A_143 : memref<1x128x128xf32, #tpu.memory_space<vmem>> -> memref<128x128xf32, #tpu.memory_space<vmem>>
    %dma_start3A_145 = arith.constant 384 : i32
    %dma_start3A_146 = tpu.memref_slice %arg7[%dma_start3A_145] : memref<512xi32, #tpu.memory_space<vmem>> -> memref<128xi32, #tpu.memory_space<vmem>>
    %dma_start3A_147 = arith.constant 0 : i32
    %dma_start3A_148 = arith.constant 0 : i32
    %dma_start3A_149 = tpu.memref_slice %arg3[%dma_start3A_147, %dma_start3A_148] : memref<1000000x128xf32, #tpu.memory_space<hbm>> -> memref<1000000x128xf32, #tpu.memory_space<hbm>>
    tpu.enqueue_indirect_dma source(%dma_start3A_149 : memref<1000000x128xf32, #tpu.memory_space<hbm>>) target(%dma_start3A_144 : memref<128x128xf32, #tpu.memory_space<vmem>>) offsets(%dma_start3A_146 : memref<128xi32, #tpu.memory_space<vmem>>) semaphore(%arg11 : memref<!tpu.dma_semaphore, #tpu.memory_space<semaphore_mem>>)
    %dma_wait3A_150 = arith.constant 0 : i32
    %dma_wait3A_151 = arith.constant 0 : i32
    %dma_wait3A_152 = arith.constant 0 : i32
    %dma_wait3A_153 = tpu.memref_slice %arg8[%dma_wait3A_150, %dma_wait3A_151, %dma_wait3A_152] : memref<2x128x128xf32, #tpu.memory_space<vmem>> -> memref<1x128x128xf32, #tpu.memory_space<vmem>>
    %dma_wait3A_154 = tpu.memref_squeeze %dma_wait3A_153 : memref<1x128x128xf32, #tpu.memory_space<vmem>> -> memref<128x128xf32, #tpu.memory_space<vmem>>
    %dma_wait3A_155 = arith.constant 256 : i32
    %dma_wait3A_156 = tpu.memref_slice %arg7[%dma_wait3A_155] : memref<512xi32, #tpu.memory_space<vmem>> -> memref<128xi32, #tpu.memory_space<vmem>>
    %dma_wait3A_157 = arith.constant 0 : i32
    %dma_wait3A_158 = arith.constant 0 : i32
    %dma_wait3A_159 = tpu.memref_slice %arg3[%dma_wait3A_157, %dma_wait3A_158] : memref<1000000x128xf32, #tpu.memory_space<hbm>> -> memref<1000000x128xf32, #tpu.memory_space<hbm>>
    tpu.wait_indirect_dma semaphore(%arg10 : memref<!tpu.dma_semaphore, #tpu.memory_space<semaphore_mem>>) src(%dma_wait3A_159 : memref<1000000x128xf32, #tpu.memory_space<hbm>>) dst(%dma_wait3A_154 : memref<128x128xf32, #tpu.memory_space<vmem>>)
    %dma_wait3A_160 = arith.constant 0 : i32
    %dma_wait3A_161 = arith.constant 0 : i32
    %dma_wait3A_162 = tpu.memref_slice %arg9[%dma_wait3A_160, %dma_wait3A_161] : memref<2x14336xf32, #tpu.memory_space<vmem>> -> memref<1x2048xf32, #tpu.memory_space<vmem>>
    %dma_wait3A_163 = tpu.memref_squeeze %dma_wait3A_162 : memref<1x2048xf32, #tpu.memory_space<vmem>> -> memref<2048xf32, #tpu.memory_space<vmem>>
    %dma_wait3A_164 = tpu.memref_slice %arg4[%mul3A_39] : memref<262144xf32, #tpu.memory_space<hbm>> -> memref<2048xf32, #tpu.memory_space<hbm>>
    %dma_wait3A_165 = tpu.memref_slice %arg4[%mul3A_39] : memref<262144xf32, #tpu.memory_space<hbm>> -> memref<2048xf32, #tpu.memory_space<hbm>>
    %dma_wait3A_166 = arith.constant 0 : i32
    %dma_wait3A_167 = tpu.memref_slice %arg9[%dma_wait3A_160, %dma_wait3A_166] : memref<2x14336xf32, #tpu.memory_space<vmem>> -> memref<1x2048xf32, #tpu.memory_space<vmem>>
    %dma_wait3A_168 = tpu.memref_squeeze %dma_wait3A_167 : memref<1x2048xf32, #tpu.memory_space<vmem>> -> memref<2048xf32, #tpu.memory_space<vmem>>
    tpu.wait_dma2 semaphore(%arg12 : memref<!tpu.dma_semaphore, #tpu.memory_space<semaphore_mem>>) src(%dma_wait3A_168 : memref<2048xf32, #tpu.memory_space<vmem>>) dst(%dma_wait3A_165 : memref<2048xf32, #tpu.memory_space<hbm>>)
    %dma_wait3A_169 = arith.constant 0 : i32
    %dma_wait3A_170 = arith.constant 2048 : i32
    %dma_wait3A_171 = tpu.memref_slice %arg9[%dma_wait3A_169, %dma_wait3A_170] : memref<2x14336xf32, #tpu.memory_space<vmem>> -> memref<1x4096xf32, #tpu.memory_space<vmem>>
    %dma_wait3A_172 = tpu.memref_squeeze %dma_wait3A_171 : memref<1x4096xf32, #tpu.memory_space<vmem>> -> memref<4096xf32, #tpu.memory_space<vmem>>
    %dma_wait3A_173 = tpu.memref_slice %arg5[%mul3A_52] : memref<524288xf32, #tpu.memory_space<hbm>> -> memref<4096xf32, #tpu.memory_space<hbm>>
    %dma_wait3A_174 = tpu.memref_slice %arg5[%mul3A_52] : memref<524288xf32, #tpu.memory_space<hbm>> -> memref<4096xf32, #tpu.memory_space<hbm>>
    %dma_wait3A_175 = arith.constant 2048 : i32
    %dma_wait3A_176 = tpu.memref_slice %arg9[%dma_wait3A_169, %dma_wait3A_175] : memref<2x14336xf32, #tpu.memory_space<vmem>> -> memref<1x4096xf32, #tpu.memory_space<vmem>>
    %dma_wait3A_177 = tpu.memref_squeeze %dma_wait3A_176 : memref<1x4096xf32, #tpu.memory_space<vmem>> -> memref<4096xf32, #tpu.memory_space<vmem>>
    tpu.wait_dma2 semaphore(%arg12 : memref<!tpu.dma_semaphore, #tpu.memory_space<semaphore_mem>>) src(%dma_wait3A_177 : memref<4096xf32, #tpu.memory_space<vmem>>) dst(%dma_wait3A_174 : memref<4096xf32, #tpu.memory_space<hbm>>)
    %dma_wait3A_178 = arith.constant 0 : i32
    %dma_wait3A_179 = arith.constant 6144 : i32
    %dma_wait3A_180 = tpu.memref_slice %arg9[%dma_wait3A_178, %dma_wait3A_179] : memref<2x14336xf32, #tpu.memory_space<vmem>> -> memref<1x8192xf32, #tpu.memory_space<vmem>>
    %dma_wait3A_181 = tpu.memref_squeeze %dma_wait3A_180 : memref<1x8192xf32, #tpu.memory_space<vmem>> -> memref<8192xf32, #tpu.memory_space<vmem>>
    %dma_wait3A_182 = tpu.memref_slice %arg6[%mul3A_65] : memref<1048576xf32, #tpu.memory_space<hbm>> -> memref<8192xf32, #tpu.memory_space<hbm>>
    %dma_wait3A_183 = tpu.memref_slice %arg6[%mul3A_65] : memref<1048576xf32, #tpu.memory_space<hbm>> -> memref<8192xf32, #tpu.memory_space<hbm>>
    %dma_wait3A_184 = arith.constant 6144 : i32
    %dma_wait3A_185 = tpu.memref_slice %arg9[%dma_wait3A_178, %dma_wait3A_184] : memref<2x14336xf32, #tpu.memory_space<vmem>> -> memref<1x8192xf32, #tpu.memory_space<vmem>>
    %dma_wait3A_186 = tpu.memref_squeeze %dma_wait3A_185 : memref<1x8192xf32, #tpu.memory_space<vmem>> -> memref<8192xf32, #tpu.memory_space<vmem>>
    tpu.wait_dma2 semaphore(%arg12 : memref<!tpu.dma_semaphore, #tpu.memory_space<semaphore_mem>>) src(%dma_wait3A_186 : memref<8192xf32, #tpu.memory_space<vmem>>) dst(%dma_wait3A_183 : memref<8192xf32, #tpu.memory_space<hbm>>)
    %scan3A_187 = arith.constant 0 : i32
    %scan3A_188 = arith.constant 0 : i32
    %scan3A_189 = arith.constant 128 : i32
    %scan3A_190 = arith.addi %scan3A_188, %scan3A_189 : i32
    %scan3A_191 = arith.constant 1 : i32
    scf.for %scan3A_368 = %scan3A_188 to %scan3A_190 step %scan3A_191  : i32 {
      %get3A = arith.constant 0 : i32
      %get3A_369 = arith.index_cast %get3A : i32 to index
      %get3A_370 = arith.index_cast %scan3A_368 : i32 to index
      %get3A_371 = arith.constant 0 : index
      %get3A_372 = tpu.vector_load %arg8[%get3A_369, %get3A_370, %get3A_371] {strides = array<i32>} : memref<2x128x128xf32, #tpu.memory_space<vmem>>, vector<16xf32>,
      %max3A = arith.constant 0.000000e+00 : f32
      %max3A_373 = vector.broadcast %max3A : f32 to vector<16xf32>
      %max3A_374 = arith.maximumf %get3A_372, %max3A_373 : vector<16xf32>
      %mul3A_375 = arith.constant 16 : i32
      %mul3A_376 = arith.muli %scan3A_368, %mul3A_375 : i32
      %add3A_377 = arith.constant 0 : i32
      %add3A_378 = arith.addi %add3A_377, %mul3A_376 : i32
      %add3A_379 = arith.constant 0 : i32
      %add3A_380 = arith.addi %add3A_378, %add3A_379 : i32
      %swap3A = arith.constant 0 : i32
      %swap3A_381 = arith.index_cast %swap3A : i32 to index
      %swap3A_382 = arith.index_cast %add3A_380 : i32 to index
      %swap3A_383 = tpu.vector_load %arg9[%swap3A_381, %swap3A_382] {strides = array<i32>} : memref<2x14336xf32, #tpu.memory_space<vmem>>, vector<16xf32>,
      tpu.vector_store %arg9[%swap3A_381, %swap3A_382], %max3A_374 {strides = array<i32>} : memref<2x14336xf32, #tpu.memory_space<vmem>>, vector<16xf32>,
      %get3A_384 = arith.constant 0 : i32
      %get3A_385 = arith.index_cast %get3A_384 : i32 to index
      %get3A_386 = arith.index_cast %scan3A_368 : i32 to index
      %get3A_387 = arith.constant 16 : index
      %get3A_388 = tpu.vector_load %arg8[%get3A_385, %get3A_386, %get3A_387] {strides = array<i32>} : memref<2x128x128xf32, #tpu.memory_space<vmem>>, vector<16xf32>,
      %max3A_389 = arith.constant 0.000000e+00 : f32
      %max3A_390 = vector.broadcast %max3A_389 : f32 to vector<16xf32>
      %max3A_391 = arith.maximumf %get3A_388, %max3A_390 : vector<16xf32>
      %mul3A_392 = arith.constant 32 : i32
      %mul3A_393 = arith.muli %scan3A_368, %mul3A_392 : i32
      %add3A_394 = arith.constant 2048 : i32
      %add3A_395 = arith.addi %add3A_394, %mul3A_393 : i32
      %add3A_396 = arith.constant 0 : i32
      %add3A_397 = arith.addi %add3A_395, %add3A_396 : i32
      %swap3A_398 = arith.constant 0 : i32
      %swap3A_399 = arith.index_cast %swap3A_398 : i32 to index
      %swap3A_400 = arith.index_cast %add3A_397 : i32 to index
      %swap3A_401 = tpu.vector_load %arg9[%swap3A_399, %swap3A_400] {strides = array<i32>} : memref<2x14336xf32, #tpu.memory_space<vmem>>, vector<16xf32>,
      tpu.vector_store %arg9[%swap3A_399, %swap3A_400], %max3A_391 {strides = array<i32>} : memref<2x14336xf32, #tpu.memory_space<vmem>>, vector<16xf32>,
      %get3A_402 = arith.constant 0 : i32
      %get3A_403 = arith.index_cast %get3A_402 : i32 to index
      %get3A_404 = arith.index_cast %scan3A_368 : i32 to index
      %get3A_405 = arith.constant 32 : index
      %get3A_406 = tpu.vector_load %arg8[%get3A_403, %get3A_404, %get3A_405] {strides = array<i32>} : memref<2x128x128xf32, #tpu.memory_space<vmem>>, vector<16xf32>,
      %max3A_407 = arith.constant 0.000000e+00 : f32
      %max3A_408 = vector.broadcast %max3A_407 : f32 to vector<16xf32>
      %max3A_409 = arith.maximumf %get3A_406, %max3A_408 : vector<16xf32>
      %mul3A_410 = arith.constant 32 : i32
      %mul3A_411 = arith.muli %scan3A_368, %mul3A_410 : i32
      %add3A_412 = arith.constant 2048 : i32
      %add3A_413 = arith.addi %add3A_412, %mul3A_411 : i32
      %add3A_414 = arith.constant 16 : i32
      %add3A_415 = arith.addi %add3A_413, %add3A_414 : i32
      %swap3A_416 = arith.constant 0 : i32
      %swap3A_417 = arith.index_cast %swap3A_416 : i32 to index
      %swap3A_418 = arith.index_cast %add3A_415 : i32 to index
      %swap3A_419 = tpu.vector_load %arg9[%swap3A_417, %swap3A_418] {strides = array<i32>} : memref<2x14336xf32, #tpu.memory_space<vmem>>, vector<16xf32>,
      tpu.vector_store %arg9[%swap3A_417, %swap3A_418], %max3A_409 {strides = array<i32>} : memref<2x14336xf32, #tpu.memory_space<vmem>>, vector<16xf32>,
      %get3A_420 = arith.constant 0 : i32
      %get3A_421 = arith.index_cast %get3A_420 : i32 to index
      %get3A_422 = arith.index_cast %scan3A_368 : i32 to index
      %get3A_423 = arith.constant 48 : index
      %get3A_424 = tpu.vector_load %arg8[%get3A_421, %get3A_422, %get3A_423] {strides = array<i32>} : memref<2x128x128xf32, #tpu.memory_space<vmem>>, vector<16xf32>,
      %max3A_425 = arith.constant 0.000000e+00 : f32
      %max3A_426 = vector.broadcast %max3A_425 : f32 to vector<16xf32>
      %max3A_427 = arith.maximumf %get3A_424, %max3A_426 : vector<16xf32>
      %mul3A_428 = arith.constant 64 : i32
      %mul3A_429 = arith.muli %scan3A_368, %mul3A_428 : i32
      %add3A_430 = arith.constant 6144 : i32
      %add3A_431 = arith.addi %add3A_430, %mul3A_429 : i32
      %add3A_432 = arith.constant 0 : i32
      %add3A_433 = arith.addi %add3A_431, %add3A_432 : i32
      %swap3A_434 = arith.constant 0 : i32
      %swap3A_435 = arith.index_cast %swap3A_434 : i32 to index
      %swap3A_436 = arith.index_cast %add3A_433 : i32 to index
      %swap3A_437 = tpu.vector_load %arg9[%swap3A_435, %swap3A_436] {strides = array<i32>} : memref<2x14336xf32, #tpu.memory_space<vmem>>, vector<16xf32>,
      tpu.vector_store %arg9[%swap3A_435, %swap3A_436], %max3A_427 {strides = array<i32>} : memref<2x14336xf32, #tpu.memory_space<vmem>>, vector<16xf32>,
      %get3A_438 = arith.constant 0 : i32
      %get3A_439 = arith.index_cast %get3A_438 : i32 to index
      %get3A_440 = arith.index_cast %scan3A_368 : i32 to index
      %get3A_441 = arith.constant 64 : index
      %get3A_442 = tpu.vector_load %arg8[%get3A_439, %get3A_440, %get3A_441] {strides = array<i32>} : memref<2x128x128xf32, #tpu.memory_space<vmem>>, vector<16xf32>,
      %max3A_443 = arith.constant 0.000000e+00 : f32
      %max3A_444 = vector.broadcast %max3A_443 : f32 to vector<16xf32>
      %max3A_445 = arith.maximumf %get3A_442, %max3A_444 : vector<16xf32>
      %mul3A_446 = arith.constant 64 : i32
      %mul3A_447 = arith.muli %scan3A_368, %mul3A_446 : i32
      %add3A_448 = arith.constant 6144 : i32
      %add3A_449 = arith.addi %add3A_448, %mul3A_447 : i32
      %add3A_450 = arith.constant 16 : i32
      %add3A_451 = arith.addi %add3A_449, %add3A_450 : i32
      %swap3A_452 = arith.constant 0 : i32
      %swap3A_453 = arith.index_cast %swap3A_452 : i32 to index
      %swap3A_454 = arith.index_cast %add3A_451 : i32 to index
      %swap3A_455 = tpu.vector_load %arg9[%swap3A_453, %swap3A_454] {strides = array<i32>} : memref<2x14336xf32, #tpu.memory_space<vmem>>, vector<16xf32>,
      tpu.vector_store %arg9[%swap3A_453, %swap3A_454], %max3A_445 {strides = array<i32>} : memref<2x14336xf32, #tpu.memory_space<vmem>>, vector<16xf32>,
      %get3A_456 = arith.constant 0 : i32
      %get3A_457 = arith.index_cast %get3A_456 : i32 to index
      %get3A_458 = arith.index_cast %scan3A_368 : i32 to index
      %get3A_459 = arith.constant 80 : index
      %get3A_460 = tpu.vector_load %arg8[%get3A_457, %get3A_458, %get3A_459] {strides = array<i32>} : memref<2x128x128xf32, #tpu.memory_space<vmem>>, vector<16xf32>,
      %max3A_461 = arith.constant 0.000000e+00 : f32
      %max3A_462 = vector.broadcast %max3A_461 : f32 to vector<16xf32>
      %max3A_463 = arith.maximumf %get3A_460, %max3A_462 : vector<16xf32>
      %mul3A_464 = arith.constant 64 : i32
      %mul3A_465 = arith.muli %scan3A_368, %mul3A_464 : i32
      %add3A_466 = arith.constant 6144 : i32
      %add3A_467 = arith.addi %add3A_466, %mul3A_465 : i32
      %add3A_468 = arith.constant 32 : i32
      %add3A_469 = arith.addi %add3A_467, %add3A_468 : i32
      %swap3A_470 = arith.constant 0 : i32
      %swap3A_471 = arith.index_cast %swap3A_470 : i32 to index
      %swap3A_472 = arith.index_cast %add3A_469 : i32 to index
      %swap3A_473 = tpu.vector_load %arg9[%swap3A_471, %swap3A_472] {strides = array<i32>} : memref<2x14336xf32, #tpu.memory_space<vmem>>, vector<16xf32>,
      tpu.vector_store %arg9[%swap3A_471, %swap3A_472], %max3A_463 {strides = array<i32>} : memref<2x14336xf32, #tpu.memory_space<vmem>>, vector<16xf32>,
      %get3A_474 = arith.constant 0 : i32
      %get3A_475 = arith.index_cast %get3A_474 : i32 to index
      %get3A_476 = arith.index_cast %scan3A_368 : i32 to index
      %get3A_477 = arith.constant 96 : index
      %get3A_478 = tpu.vector_load %arg8[%get3A_475, %get3A_476, %get3A_477] {strides = array<i32>} : memref<2x128x128xf32, #tpu.memory_space<vmem>>, vector<16xf32>,
      %max3A_479 = arith.constant 0.000000e+00 : f32
      %max3A_480 = vector.broadcast %max3A_479 : f32 to vector<16xf32>
      %max3A_481 = arith.maximumf %get3A_478, %max3A_480 : vector<16xf32>
      %mul3A_482 = arith.constant 64 : i32
      %mul3A_483 = arith.muli %scan3A_368, %mul3A_482 : i32
      %add3A_484 = arith.constant 6144 : i32
      %add3A_485 = arith.addi %add3A_484, %mul3A_483 : i32
      %add3A_486 = arith.constant 48 : i32
      %add3A_487 = arith.addi %add3A_485, %add3A_486 : i32
      %swap3A_488 = arith.constant 0 : i32
      %swap3A_489 = arith.index_cast %swap3A_488 : i32 to index
      %swap3A_490 = arith.index_cast %add3A_487 : i32 to index
      %swap3A_491 = tpu.vector_load %arg9[%swap3A_489, %swap3A_490] {strides = array<i32>} : memref<2x14336xf32, #tpu.memory_space<vmem>>, vector<16xf32>,
      tpu.vector_store %arg9[%swap3A_489, %swap3A_490], %max3A_481 {strides = array<i32>} : memref<2x14336xf32, #tpu.memory_space<vmem>>, vector<16xf32>,
    }
    %scan3A_192 = arith.constant 128 : i32
    %add3A_193 = arith.constant 256 : i32
    %add3A_194 = arith.addi %mul3A_2, %add3A_193 : i32
    %mul3A_195 = arith.constant 16 : i32
    %mul3A_196 = arith.muli %add3A_194, %mul3A_195 : i32
    %dma_start3A_197 = arith.constant 0 : i32
    %dma_start3A_198 = arith.constant 0 : i32
    %dma_start3A_199 = tpu.memref_slice %arg9[%dma_start3A_197, %dma_start3A_198] : memref<2x14336xf32, #tpu.memory_space<vmem>> -> memref<1x2048xf32, #tpu.memory_space<vmem>>
    %dma_start3A_200 = tpu.memref_squeeze %dma_start3A_199 : memref<1x2048xf32, #tpu.memory_space<vmem>> -> memref<2048xf32, #tpu.memory_space<vmem>>
    %dma_start3A_201 = tpu.memref_slice %arg4[%mul3A_196] : memref<262144xf32, #tpu.memory_space<hbm>> -> memref<2048xf32, #tpu.memory_space<hbm>>
    %dma_start3A_202 = tpu.memref_slice %arg4[%mul3A_196] : memref<262144xf32, #tpu.memory_space<hbm>> -> memref<2048xf32, #tpu.memory_space<hbm>>
    %dma_start3A_203 = arith.constant 0 : i32
    %dma_start3A_204 = tpu.memref_slice %arg9[%dma_start3A_197, %dma_start3A_203] : memref<2x14336xf32, #tpu.memory_space<vmem>> -> memref<1x2048xf32, #tpu.memory_space<vmem>>
    %dma_start3A_205 = tpu.memref_squeeze %dma_start3A_204 : memref<1x2048xf32, #tpu.memory_space<vmem>> -> memref<2048xf32, #tpu.memory_space<vmem>>
    tpu.enqueue_dma source(%dma_start3A_205 : memref<2048xf32, #tpu.memory_space<vmem>>) target(%dma_start3A_202 : memref<2048xf32, #tpu.memory_space<hbm>>) target_semaphore(%arg12 : memref<!tpu.dma_semaphore, #tpu.memory_space<semaphore_mem>>)
    %add3A_206 = arith.constant 256 : i32
    %add3A_207 = arith.addi %mul3A_2, %add3A_206 : i32
    %mul3A_208 = arith.constant 32 : i32
    %mul3A_209 = arith.muli %add3A_207, %mul3A_208 : i32
    %dma_start3A_210 = arith.constant 0 : i32
    %dma_start3A_211 = arith.constant 2048 : i32
    %dma_start3A_212 = tpu.memref_slice %arg9[%dma_start3A_210, %dma_start3A_211] : memref<2x14336xf32, #tpu.memory_space<vmem>> -> memref<1x4096xf32, #tpu.memory_space<vmem>>
    %dma_start3A_213 = tpu.memref_squeeze %dma_start3A_212 : memref<1x4096xf32, #tpu.memory_space<vmem>> -> memref<4096xf32, #tpu.memory_space<vmem>>
    %dma_start3A_214 = tpu.memref_slice %arg5[%mul3A_209] : memref<524288xf32, #tpu.memory_space<hbm>> -> memref<4096xf32, #tpu.memory_space<hbm>>
    %dma_start3A_215 = tpu.memref_slice %arg5[%mul3A_209] : memref<524288xf32, #tpu.memory_space<hbm>> -> memref<4096xf32, #tpu.memory_space<hbm>>
    %dma_start3A_216 = arith.constant 2048 : i32
    %dma_start3A_217 = tpu.memref_slice %arg9[%dma_start3A_210, %dma_start3A_216] : memref<2x14336xf32, #tpu.memory_space<vmem>> -> memref<1x4096xf32, #tpu.memory_space<vmem>>
    %dma_start3A_218 = tpu.memref_squeeze %dma_start3A_217 : memref<1x4096xf32, #tpu.memory_space<vmem>> -> memref<4096xf32, #tpu.memory_space<vmem>>
    tpu.enqueue_dma source(%dma_start3A_218 : memref<4096xf32, #tpu.memory_space<vmem>>) target(%dma_start3A_215 : memref<4096xf32, #tpu.memory_space<hbm>>) target_semaphore(%arg12 : memref<!tpu.dma_semaphore, #tpu.memory_space<semaphore_mem>>)
    %add3A_219 = arith.constant 256 : i32
    %add3A_220 = arith.addi %mul3A_2, %add3A_219 : i32
    %mul3A_221 = arith.constant 64 : i32
    %mul3A_222 = arith.muli %add3A_220, %mul3A_221 : i32
    %dma_start3A_223 = arith.constant 0 : i32
    %dma_start3A_224 = arith.constant 6144 : i32
    %dma_start3A_225 = tpu.memref_slice %arg9[%dma_start3A_223, %dma_start3A_224] : memref<2x14336xf32, #tpu.memory_space<vmem>> -> memref<1x8192xf32, #tpu.memory_space<vmem>>
    %dma_start3A_226 = tpu.memref_squeeze %dma_start3A_225 : memref<1x8192xf32, #tpu.memory_space<vmem>> -> memref<8192xf32, #tpu.memory_space<vmem>>
    %dma_start3A_227 = tpu.memref_slice %arg6[%mul3A_222] : memref<1048576xf32, #tpu.memory_space<hbm>> -> memref<8192xf32, #tpu.memory_space<hbm>>
    %dma_start3A_228 = tpu.memref_slice %arg6[%mul3A_222] : memref<1048576xf32, #tpu.memory_space<hbm>> -> memref<8192xf32, #tpu.memory_space<hbm>>
    %dma_start3A_229 = arith.constant 6144 : i32
    %dma_start3A_230 = tpu.memref_slice %arg9[%dma_start3A_223, %dma_start3A_229] : memref<2x14336xf32, #tpu.memory_space<vmem>> -> memref<1x8192xf32, #tpu.memory_space<vmem>>
    %dma_start3A_231 = tpu.memref_squeeze %dma_start3A_230 : memref<1x8192xf32, #tpu.memory_space<vmem>> -> memref<8192xf32, #tpu.memory_space<vmem>>
    tpu.enqueue_dma source(%dma_start3A_231 : memref<8192xf32, #tpu.memory_space<vmem>>) target(%dma_start3A_228 : memref<8192xf32, #tpu.memory_space<hbm>>) target_semaphore(%arg12 : memref<!tpu.dma_semaphore, #tpu.memory_space<semaphore_mem>>)
    %dma_wait3A_232 = arith.constant 1 : i32
    %dma_wait3A_233 = arith.constant 0 : i32
    %dma_wait3A_234 = arith.constant 0 : i32
    %dma_wait3A_235 = tpu.memref_slice %arg8[%dma_wait3A_232, %dma_wait3A_233, %dma_wait3A_234] : memref<2x128x128xf32, #tpu.memory_space<vmem>> -> memref<1x128x128xf32, #tpu.memory_space<vmem>>
    %dma_wait3A_236 = tpu.memref_squeeze %dma_wait3A_235 : memref<1x128x128xf32, #tpu.memory_space<vmem>> -> memref<128x128xf32, #tpu.memory_space<vmem>>
    %dma_wait3A_237 = arith.constant 384 : i32
    %dma_wait3A_238 = tpu.memref_slice %arg7[%dma_wait3A_237] : memref<512xi32, #tpu.memory_space<vmem>> -> memref<128xi32, #tpu.memory_space<vmem>>
    %dma_wait3A_239 = arith.constant 0 : i32
    %dma_wait3A_240 = arith.constant 0 : i32
    %dma_wait3A_241 = tpu.memref_slice %arg3[%dma_wait3A_239, %dma_wait3A_240] : memref<1000000x128xf32, #tpu.memory_space<hbm>> -> memref<1000000x128xf32, #tpu.memory_space<hbm>>
    tpu.wait_indirect_dma semaphore(%arg11 : memref<!tpu.dma_semaphore, #tpu.memory_space<semaphore_mem>>) src(%dma_wait3A_241 : memref<1000000x128xf32, #tpu.memory_space<hbm>>) dst(%dma_wait3A_236 : memref<128x128xf32, #tpu.memory_space<vmem>>)
    %dma_wait3A_242 = arith.constant 1 : i32
    %dma_wait3A_243 = arith.constant 0 : i32
    %dma_wait3A_244 = tpu.memref_slice %arg9[%dma_wait3A_242, %dma_wait3A_243] : memref<2x14336xf32, #tpu.memory_space<vmem>> -> memref<1x2048xf32, #tpu.memory_space<vmem>>
    %dma_wait3A_245 = tpu.memref_squeeze %dma_wait3A_244 : memref<1x2048xf32, #tpu.memory_space<vmem>> -> memref<2048xf32, #tpu.memory_space<vmem>>
    %dma_wait3A_246 = tpu.memref_slice %arg4[%mul3A_104] : memref<262144xf32, #tpu.memory_space<hbm>> -> memref<2048xf32, #tpu.memory_space<hbm>>
    %dma_wait3A_247 = tpu.memref_slice %arg4[%mul3A_104] : memref<262144xf32, #tpu.memory_space<hbm>> -> memref<2048xf32, #tpu.memory_space<hbm>>
    %dma_wait3A_248 = arith.constant 0 : i32
    %dma_wait3A_249 = tpu.memref_slice %arg9[%dma_wait3A_242, %dma_wait3A_248] : memref<2x14336xf32, #tpu.memory_space<vmem>> -> memref<1x2048xf32, #tpu.memory_space<vmem>>
    %dma_wait3A_250 = tpu.memref_squeeze %dma_wait3A_249 : memref<1x2048xf32, #tpu.memory_space<vmem>> -> memref<2048xf32, #tpu.memory_space<vmem>>
    tpu.wait_dma2 semaphore(%arg13 : memref<!tpu.dma_semaphore, #tpu.memory_space<semaphore_mem>>) src(%dma_wait3A_250 : memref<2048xf32, #tpu.memory_space<vmem>>) dst(%dma_wait3A_247 : memref<2048xf32, #tpu.memory_space<hbm>>)
    %dma_wait3A_251 = arith.constant 1 : i32
    %dma_wait3A_252 = arith.constant 2048 : i32
    %dma_wait3A_253 = tpu.memref_slice %arg9[%dma_wait3A_251, %dma_wait3A_252] : memref<2x14336xf32, #tpu.memory_space<vmem>> -> memref<1x4096xf32, #tpu.memory_space<vmem>>
    %dma_wait3A_254 = tpu.memref_squeeze %dma_wait3A_253 : memref<1x4096xf32, #tpu.memory_space<vmem>> -> memref<4096xf32, #tpu.memory_space<vmem>>
    %dma_wait3A_255 = tpu.memref_slice %arg5[%mul3A_117] : memref<524288xf32, #tpu.memory_space<hbm>> -> memref<4096xf32, #tpu.memory_space<hbm>>
    %dma_wait3A_256 = tpu.memref_slice %arg5[%mul3A_117] : memref<524288xf32, #tpu.memory_space<hbm>> -> memref<4096xf32, #tpu.memory_space<hbm>>
    %dma_wait3A_257 = arith.constant 2048 : i32
    %dma_wait3A_258 = tpu.memref_slice %arg9[%dma_wait3A_251, %dma_wait3A_257] : memref<2x14336xf32, #tpu.memory_space<vmem>> -> memref<1x4096xf32, #tpu.memory_space<vmem>>
    %dma_wait3A_259 = tpu.memref_squeeze %dma_wait3A_258 : memref<1x4096xf32, #tpu.memory_space<vmem>> -> memref<4096xf32, #tpu.memory_space<vmem>>
    tpu.wait_dma2 semaphore(%arg13 : memref<!tpu.dma_semaphore, #tpu.memory_space<semaphore_mem>>) src(%dma_wait3A_259 : memref<4096xf32, #tpu.memory_space<vmem>>) dst(%dma_wait3A_256 : memref<4096xf32, #tpu.memory_space<hbm>>)
    %dma_wait3A_260 = arith.constant 1 : i32
    %dma_wait3A_261 = arith.constant 6144 : i32
    %dma_wait3A_262 = tpu.memref_slice %arg9[%dma_wait3A_260, %dma_wait3A_261] : memref<2x14336xf32, #tpu.memory_space<vmem>> -> memref<1x8192xf32, #tpu.memory_space<vmem>>
    %dma_wait3A_263 = tpu.memref_squeeze %dma_wait3A_262 : memref<1x8192xf32, #tpu.memory_space<vmem>> -> memref<8192xf32, #tpu.memory_space<vmem>>
    %dma_wait3A_264 = tpu.memref_slice %arg6[%mul3A_130] : memref<1048576xf32, #tpu.memory_space<hbm>> -> memref<8192xf32, #tpu.memory_space<hbm>>
    %dma_wait3A_265 = tpu.memref_slice %arg6[%mul3A_130] : memref<1048576xf32, #tpu.memory_space<hbm>> -> memref<8192xf32, #tpu.memory_space<hbm>>
    %dma_wait3A_266 = arith.constant 6144 : i32
    %dma_wait3A_267 = tpu.memref_slice %arg9[%dma_wait3A_260, %dma_wait3A_266] : memref<2x14336xf32, #tpu.memory_space<vmem>> -> memref<1x8192xf32, #tpu.memory_space<vmem>>
    %dma_wait3A_268 = tpu.memref_squeeze %dma_wait3A_267 : memref<1x8192xf32, #tpu.memory_space<vmem>> -> memref<8192xf32, #tpu.memory_space<vmem>>
    tpu.wait_dma2 semaphore(%arg13 : memref<!tpu.dma_semaphore, #tpu.memory_space<semaphore_mem>>) src(%dma_wait3A_268 : memref<8192xf32, #tpu.memory_space<vmem>>) dst(%dma_wait3A_265 : memref<8192xf32, #tpu.memory_space<hbm>>)
    %scan3A_269 = arith.constant 0 : i32
    %scan3A_270 = arith.constant 0 : i32
    %scan3A_271 = arith.constant 128 : i32
    %scan3A_272 = arith.addi %scan3A_270, %scan3A_271 : i32
    %scan3A_273 = arith.constant 1 : i32
    scf.for %scan3A_368 = %scan3A_270 to %scan3A_272 step %scan3A_273  : i32 {
      %get3A = arith.constant 1 : i32
      %get3A_369 = arith.index_cast %get3A : i32 to index
      %get3A_370 = arith.index_cast %scan3A_368 : i32 to index
      %get3A_371 = arith.constant 0 : index
      %get3A_372 = tpu.vector_load %arg8[%get3A_369, %get3A_370, %get3A_371] {strides = array<i32>} : memref<2x128x128xf32, #tpu.memory_space<vmem>>, vector<16xf32>,
      %max3A = arith.constant 0.000000e+00 : f32
      %max3A_373 = vector.broadcast %max3A : f32 to vector<16xf32>
      %max3A_374 = arith.maximumf %get3A_372, %max3A_373 : vector<16xf32>
      %mul3A_375 = arith.constant 16 : i32
      %mul3A_376 = arith.muli %scan3A_368, %mul3A_375 : i32
      %add3A_377 = arith.constant 0 : i32
      %add3A_378 = arith.addi %add3A_377, %mul3A_376 : i32
      %add3A_379 = arith.constant 0 : i32
      %add3A_380 = arith.addi %add3A_378, %add3A_379 : i32
      %swap3A = arith.constant 1 : i32
      %swap3A_381 = arith.index_cast %swap3A : i32 to index
      %swap3A_382 = arith.index_cast %add3A_380 : i32 to index
      %swap3A_383 = tpu.vector_load %arg9[%swap3A_381, %swap3A_382] {strides = array<i32>} : memref<2x14336xf32, #tpu.memory_space<vmem>>, vector<16xf32>,
      tpu.vector_store %arg9[%swap3A_381, %swap3A_382], %max3A_374 {strides = array<i32>} : memref<2x14336xf32, #tpu.memory_space<vmem>>, vector<16xf32>,
      %get3A_384 = arith.constant 1 : i32
      %get3A_385 = arith.index_cast %get3A_384 : i32 to index
      %get3A_386 = arith.index_cast %scan3A_368 : i32 to index
      %get3A_387 = arith.constant 16 : index
      %get3A_388 = tpu.vector_load %arg8[%get3A_385, %get3A_386, %get3A_387] {strides = array<i32>} : memref<2x128x128xf32, #tpu.memory_space<vmem>>, vector<16xf32>,
      %max3A_389 = arith.constant 0.000000e+00 : f32
      %max3A_390 = vector.broadcast %max3A_389 : f32 to vector<16xf32>
      %max3A_391 = arith.maximumf %get3A_388, %max3A_390 : vector<16xf32>
      %mul3A_392 = arith.constant 32 : i32
      %mul3A_393 = arith.muli %scan3A_368, %mul3A_392 : i32
      %add3A_394 = arith.constant 2048 : i32
      %add3A_395 = arith.addi %add3A_394, %mul3A_393 : i32
      %add3A_396 = arith.constant 0 : i32
      %add3A_397 = arith.addi %add3A_395, %add3A_396 : i32
      %swap3A_398 = arith.constant 1 : i32
      %swap3A_399 = arith.index_cast %swap3A_398 : i32 to index
      %swap3A_400 = arith.index_cast %add3A_397 : i32 to index
      %swap3A_401 = tpu.vector_load %arg9[%swap3A_399, %swap3A_400] {strides = array<i32>} : memref<2x14336xf32, #tpu.memory_space<vmem>>, vector<16xf32>,
      tpu.vector_store %arg9[%swap3A_399, %swap3A_400], %max3A_391 {strides = array<i32>} : memref<2x14336xf32, #tpu.memory_space<vmem>>, vector<16xf32>,
      %get3A_402 = arith.constant 1 : i32
      %get3A_403 = arith.index_cast %get3A_402 : i32 to index
      %get3A_404 = arith.index_cast %scan3A_368 : i32 to index
      %get3A_405 = arith.constant 32 : index
      %get3A_406 = tpu.vector_load %arg8[%get3A_403, %get3A_404, %get3A_405] {strides = array<i32>} : memref<2x128x128xf32, #tpu.memory_space<vmem>>, vector<16xf32>,
      %max3A_407 = arith.constant 0.000000e+00 : f32
      %max3A_408 = vector.broadcast %max3A_407 : f32 to vector<16xf32>
      %max3A_409 = arith.maximumf %get3A_406, %max3A_408 : vector<16xf32>
      %mul3A_410 = arith.constant 32 : i32
      %mul3A_411 = arith.muli %scan3A_368, %mul3A_410 : i32
      %add3A_412 = arith.constant 2048 : i32
      %add3A_413 = arith.addi %add3A_412, %mul3A_411 : i32
      %add3A_414 = arith.constant 16 : i32
      %add3A_415 = arith.addi %add3A_413, %add3A_414 : i32
      %swap3A_416 = arith.constant 1 : i32
      %swap3A_417 = arith.index_cast %swap3A_416 : i32 to index
      %swap3A_418 = arith.index_cast %add3A_415 : i32 to index
      %swap3A_419 = tpu.vector_load %arg9[%swap3A_417, %swap3A_418] {strides = array<i32>} : memref<2x14336xf32, #tpu.memory_space<vmem>>, vector<16xf32>,
      tpu.vector_store %arg9[%swap3A_417, %swap3A_418], %max3A_409 {strides = array<i32>} : memref<2x14336xf32, #tpu.memory_space<vmem>>, vector<16xf32>,
      %get3A_420 = arith.constant 1 : i32
      %get3A_421 = arith.index_cast %get3A_420 : i32 to index
      %get3A_422 = arith.index_cast %scan3A_368 : i32 to index
      %get3A_423 = arith.constant 48 : index
      %get3A_424 = tpu.vector_load %arg8[%get3A_421, %get3A_422, %get3A_423] {strides = array<i32>} : memref<2x128x128xf32, #tpu.memory_space<vmem>>, vector<16xf32>,
      %max3A_425 = arith.constant 0.000000e+00 : f32
      %max3A_426 = vector.broadcast %max3A_425 : f32 to vector<16xf32>
      %max3A_427 = arith.maximumf %get3A_424, %max3A_426 : vector<16xf32>
      %mul3A_428 = arith.constant 64 : i32
      %mul3A_429 = arith.muli %scan3A_368, %mul3A_428 : i32
      %add3A_430 = arith.constant 6144 : i32
      %add3A_431 = arith.addi %add3A_430, %mul3A_429 : i32
      %add3A_432 = arith.constant 0 : i32
      %add3A_433 = arith.addi %add3A_431, %add3A_432 : i32
      %swap3A_434 = arith.constant 1 : i32
      %swap3A_435 = arith.index_cast %swap3A_434 : i32 to index
      %swap3A_436 = arith.index_cast %add3A_433 : i32 to index
      %swap3A_437 = tpu.vector_load %arg9[%swap3A_435, %swap3A_436] {strides = array<i32>} : memref<2x14336xf32, #tpu.memory_space<vmem>>, vector<16xf32>,
      tpu.vector_store %arg9[%swap3A_435, %swap3A_436], %max3A_427 {strides = array<i32>} : memref<2x14336xf32, #tpu.memory_space<vmem>>, vector<16xf32>,
      %get3A_438 = arith.constant 1 : i32
      %get3A_439 = arith.index_cast %get3A_438 : i32 to index
      %get3A_440 = arith.index_cast %scan3A_368 : i32 to index
      %get3A_441 = arith.constant 64 : index
      %get3A_442 = tpu.vector_load %arg8[%get3A_439, %get3A_440, %get3A_441] {strides = array<i32>} : memref<2x128x128xf32, #tpu.memory_space<vmem>>, vector<16xf32>,
      %max3A_443 = arith.constant 0.000000e+00 : f32
      %max3A_444 = vector.broadcast %max3A_443 : f32 to vector<16xf32>
      %max3A_445 = arith.maximumf %get3A_442, %max3A_444 : vector<16xf32>
      %mul3A_446 = arith.constant 64 : i32
      %mul3A_447 = arith.muli %scan3A_368, %mul3A_446 : i32
      %add3A_448 = arith.constant 6144 : i32
      %add3A_449 = arith.addi %add3A_448, %mul3A_447 : i32
      %add3A_450 = arith.constant 16 : i32
      %add3A_451 = arith.addi %add3A_449, %add3A_450 : i32
      %swap3A_452 = arith.constant 1 : i32
      %swap3A_453 = arith.index_cast %swap3A_452 : i32 to index
      %swap3A_454 = arith.index_cast %add3A_451 : i32 to index
      %swap3A_455 = tpu.vector_load %arg9[%swap3A_453, %swap3A_454] {strides = array<i32>} : memref<2x14336xf32, #tpu.memory_space<vmem>>, vector<16xf32>,
      tpu.vector_store %arg9[%swap3A_453, %swap3A_454], %max3A_445 {strides = array<i32>} : memref<2x14336xf32, #tpu.memory_space<vmem>>, vector<16xf32>,
      %get3A_456 = arith.constant 1 : i32
      %get3A_457 = arith.index_cast %get3A_456 : i32 to index
      %get3A_458 = arith.index_cast %scan3A_368 : i32 to index
      %get3A_459 = arith.constant 80 : index
      %get3A_460 = tpu.vector_load %arg8[%get3A_457, %get3A_458, %get3A_459] {strides = array<i32>} : memref<2x128x128xf32, #tpu.memory_space<vmem>>, vector<16xf32>,
      %max3A_461 = arith.constant 0.000000e+00 : f32
      %max3A_462 = vector.broadcast %max3A_461 : f32 to vector<16xf32>
      %max3A_463 = arith.maximumf %get3A_460, %max3A_462 : vector<16xf32>
      %mul3A_464 = arith.constant 64 : i32
      %mul3A_465 = arith.muli %scan3A_368, %mul3A_464 : i32
      %add3A_466 = arith.constant 6144 : i32
      %add3A_467 = arith.addi %add3A_466, %mul3A_465 : i32
      %add3A_468 = arith.constant 32 : i32
      %add3A_469 = arith.addi %add3A_467, %add3A_468 : i32
      %swap3A_470 = arith.constant 1 : i32
      %swap3A_471 = arith.index_cast %swap3A_470 : i32 to index
      %swap3A_472 = arith.index_cast %add3A_469 : i32 to index
      %swap3A_473 = tpu.vector_load %arg9[%swap3A_471, %swap3A_472] {strides = array<i32>} : memref<2x14336xf32, #tpu.memory_space<vmem>>, vector<16xf32>,
      tpu.vector_store %arg9[%swap3A_471, %swap3A_472], %max3A_463 {strides = array<i32>} : memref<2x14336xf32, #tpu.memory_space<vmem>>, vector<16xf32>,
      %get3A_474 = arith.constant 1 : i32
      %get3A_475 = arith.index_cast %get3A_474 : i32 to index
      %get3A_476 = arith.index_cast %scan3A_368 : i32 to index
      %get3A_477 = arith.constant 96 : index
      %get3A_478 = tpu.vector_load %arg8[%get3A_475, %get3A_476, %get3A_477] {strides = array<i32>} : memref<2x128x128xf32, #tpu.memory_space<vmem>>, vector<16xf32>,
      %max3A_479 = arith.constant 0.000000e+00 : f32
      %max3A_480 = vector.broadcast %max3A_479 : f32 to vector<16xf32>
      %max3A_481 = arith.maximumf %get3A_478, %max3A_480 : vector<16xf32>
      %mul3A_482 = arith.constant 64 : i32
      %mul3A_483 = arith.muli %scan3A_368, %mul3A_482 : i32
      %add3A_484 = arith.constant 6144 : i32
      %add3A_485 = arith.addi %add3A_484, %mul3A_483 : i32
      %add3A_486 = arith.constant 48 : i32
      %add3A_487 = arith.addi %add3A_485, %add3A_486 : i32
      %swap3A_488 = arith.constant 1 : i32
      %swap3A_489 = arith.index_cast %swap3A_488 : i32 to index
      %swap3A_490 = arith.index_cast %add3A_487 : i32 to index
      %swap3A_491 = tpu.vector_load %arg9[%swap3A_489, %swap3A_490] {strides = array<i32>} : memref<2x14336xf32, #tpu.memory_space<vmem>>, vector<16xf32>,
      tpu.vector_store %arg9[%swap3A_489, %swap3A_490], %max3A_481 {strides = array<i32>} : memref<2x14336xf32, #tpu.memory_space<vmem>>, vector<16xf32>,
    }
    %scan3A_274 = arith.constant 128 : i32
    %add3A_275 = arith.constant 384 : i32
    %add3A_276 = arith.addi %mul3A_2, %add3A_275 : i32
    %mul3A_277 = arith.constant 16 : i32
    %mul3A_278 = arith.muli %add3A_276, %mul3A_277 : i32
    %dma_start3A_279 = arith.constant 1 : i32
    %dma_start3A_280 = arith.constant 0 : i32
    %dma_start3A_281 = tpu.memref_slice %arg9[%dma_start3A_279, %dma_start3A_280] : memref<2x14336xf32, #tpu.memory_space<vmem>> -> memref<1x2048xf32, #tpu.memory_space<vmem>>
    %dma_start3A_282 = tpu.memref_squeeze %dma_start3A_281 : memref<1x2048xf32, #tpu.memory_space<vmem>> -> memref<2048xf32, #tpu.memory_space<vmem>>
    %dma_start3A_283 = tpu.memref_slice %arg4[%mul3A_278] : memref<262144xf32, #tpu.memory_space<hbm>> -> memref<2048xf32, #tpu.memory_space<hbm>>
    %dma_start3A_284 = tpu.memref_slice %arg4[%mul3A_278] : memref<262144xf32, #tpu.memory_space<hbm>> -> memref<2048xf32, #tpu.memory_space<hbm>>
    %dma_start3A_285 = arith.constant 0 : i32
    %dma_start3A_286 = tpu.memref_slice %arg9[%dma_start3A_279, %dma_start3A_285] : memref<2x14336xf32, #tpu.memory_space<vmem>> -> memref<1x2048xf32, #tpu.memory_space<vmem>>
    %dma_start3A_287 = tpu.memref_squeeze %dma_start3A_286 : memref<1x2048xf32, #tpu.memory_space<vmem>> -> memref<2048xf32, #tpu.memory_space<vmem>>
    tpu.enqueue_dma source(%dma_start3A_287 : memref<2048xf32, #tpu.memory_space<vmem>>) target(%dma_start3A_284 : memref<2048xf32, #tpu.memory_space<hbm>>) target_semaphore(%arg13 : memref<!tpu.dma_semaphore, #tpu.memory_space<semaphore_mem>>)
    %add3A_288 = arith.constant 384 : i32
    %add3A_289 = arith.addi %mul3A_2, %add3A_288 : i32
    %mul3A_290 = arith.constant 32 : i32
    %mul3A_291 = arith.muli %add3A_289, %mul3A_290 : i32
    %dma_start3A_292 = arith.constant 1 : i32
    %dma_start3A_293 = arith.constant 2048 : i32
    %dma_start3A_294 = tpu.memref_slice %arg9[%dma_start3A_292, %dma_start3A_293] : memref<2x14336xf32, #tpu.memory_space<vmem>> -> memref<1x4096xf32, #tpu.memory_space<vmem>>
    %dma_start3A_295 = tpu.memref_squeeze %dma_start3A_294 : memref<1x4096xf32, #tpu.memory_space<vmem>> -> memref<4096xf32, #tpu.memory_space<vmem>>
    %dma_start3A_296 = tpu.memref_slice %arg5[%mul3A_291] : memref<524288xf32, #tpu.memory_space<hbm>> -> memref<4096xf32, #tpu.memory_space<hbm>>
    %dma_start3A_297 = tpu.memref_slice %arg5[%mul3A_291] : memref<524288xf32, #tpu.memory_space<hbm>> -> memref<4096xf32, #tpu.memory_space<hbm>>
    %dma_start3A_298 = arith.constant 2048 : i32
    %dma_start3A_299 = tpu.memref_slice %arg9[%dma_start3A_292, %dma_start3A_298] : memref<2x14336xf32, #tpu.memory_space<vmem>> -> memref<1x4096xf32, #tpu.memory_space<vmem>>
    %dma_start3A_300 = tpu.memref_squeeze %dma_start3A_299 : memref<1x4096xf32, #tpu.memory_space<vmem>> -> memref<4096xf32, #tpu.memory_space<vmem>>
    tpu.enqueue_dma source(%dma_start3A_300 : memref<4096xf32, #tpu.memory_space<vmem>>) target(%dma_start3A_297 : memref<4096xf32, #tpu.memory_space<hbm>>) target_semaphore(%arg13 : memref<!tpu.dma_semaphore, #tpu.memory_space<semaphore_mem>>)
    %add3A_301 = arith.constant 384 : i32
    %add3A_302 = arith.addi %mul3A_2, %add3A_301 : i32
    %mul3A_303 = arith.constant 64 : i32
    %mul3A_304 = arith.muli %add3A_302, %mul3A_303 : i32
    %dma_start3A_305 = arith.constant 1 : i32
    %dma_start3A_306 = arith.constant 6144 : i32
    %dma_start3A_307 = tpu.memref_slice %arg9[%dma_start3A_305, %dma_start3A_306] : memref<2x14336xf32, #tpu.memory_space<vmem>> -> memref<1x8192xf32, #tpu.memory_space<vmem>>
    %dma_start3A_308 = tpu.memref_squeeze %dma_start3A_307 : memref<1x8192xf32, #tpu.memory_space<vmem>> -> memref<8192xf32, #tpu.memory_space<vmem>>
    %dma_start3A_309 = tpu.memref_slice %arg6[%mul3A_304] : memref<1048576xf32, #tpu.memory_space<hbm>> -> memref<8192xf32, #tpu.memory_space<hbm>>
    %dma_start3A_310 = tpu.memref_slice %arg6[%mul3A_304] : memref<1048576xf32, #tpu.memory_space<hbm>> -> memref<8192xf32, #tpu.memory_space<hbm>>
    %dma_start3A_311 = arith.constant 6144 : i32
    %dma_start3A_312 = tpu.memref_slice %arg9[%dma_start3A_305, %dma_start3A_311] : memref<2x14336xf32, #tpu.memory_space<vmem>> -> memref<1x8192xf32, #tpu.memory_space<vmem>>
    %dma_start3A_313 = tpu.memref_squeeze %dma_start3A_312 : memref<1x8192xf32, #tpu.memory_space<vmem>> -> memref<8192xf32, #tpu.memory_space<vmem>>
    tpu.enqueue_dma source(%dma_start3A_313 : memref<8192xf32, #tpu.memory_space<vmem>>) target(%dma_start3A_310 : memref<8192xf32, #tpu.memory_space<hbm>>) target_semaphore(%arg13 : memref<!tpu.dma_semaphore, #tpu.memory_space<semaphore_mem>>)
    %dma_wait3A_314 = arith.constant 0 : i32
    %dma_wait3A_315 = arith.constant 0 : i32
    %dma_wait3A_316 = tpu.memref_slice %arg9[%dma_wait3A_314, %dma_wait3A_315] : memref<2x14336xf32, #tpu.memory_space<vmem>> -> memref<1x2048xf32, #tpu.memory_space<vmem>>
    %dma_wait3A_317 = tpu.memref_squeeze %dma_wait3A_316 : memref<1x2048xf32, #tpu.memory_space<vmem>> -> memref<2048xf32, #tpu.memory_space<vmem>>
    %dma_wait3A_318 = tpu.memref_slice %arg4[%mul3A_196] : memref<262144xf32, #tpu.memory_space<hbm>> -> memref<2048xf32, #tpu.memory_space<hbm>>
    %dma_wait3A_319 = tpu.memref_slice %arg4[%mul3A_196] : memref<262144xf32, #tpu.memory_space<hbm>> -> memref<2048xf32, #tpu.memory_space<hbm>>
    %dma_wait3A_320 = arith.constant 0 : i32
    %dma_wait3A_321 = tpu.memref_slice %arg9[%dma_wait3A_314, %dma_wait3A_320] : memref<2x14336xf32, #tpu.memory_space<vmem>> -> memref<1x2048xf32, #tpu.memory_space<vmem>>
    %dma_wait3A_322 = tpu.memref_squeeze %dma_wait3A_321 : memref<1x2048xf32, #tpu.memory_space<vmem>> -> memref<2048xf32, #tpu.memory_space<vmem>>
    tpu.wait_dma2 semaphore(%arg12 : memref<!tpu.dma_semaphore, #tpu.memory_space<semaphore_mem>>) src(%dma_wait3A_322 : memref<2048xf32, #tpu.memory_space<vmem>>) dst(%dma_wait3A_319 : memref<2048xf32, #tpu.memory_space<hbm>>)
    %dma_wait3A_323 = arith.constant 0 : i32
    %dma_wait3A_324 = arith.constant 2048 : i32
    %dma_wait3A_325 = tpu.memref_slice %arg9[%dma_wait3A_323, %dma_wait3A_324] : memref<2x14336xf32, #tpu.memory_space<vmem>> -> memref<1x4096xf32, #tpu.memory_space<vmem>>
    %dma_wait3A_326 = tpu.memref_squeeze %dma_wait3A_325 : memref<1x4096xf32, #tpu.memory_space<vmem>> -> memref<4096xf32, #tpu.memory_space<vmem>>
    %dma_wait3A_327 = tpu.memref_slice %arg5[%mul3A_209] : memref<524288xf32, #tpu.memory_space<hbm>> -> memref<4096xf32, #tpu.memory_space<hbm>>
    %dma_wait3A_328 = tpu.memref_slice %arg5[%mul3A_209] : memref<524288xf32, #tpu.memory_space<hbm>> -> memref<4096xf32, #tpu.memory_space<hbm>>
    %dma_wait3A_329 = arith.constant 2048 : i32
    %dma_wait3A_330 = tpu.memref_slice %arg9[%dma_wait3A_323, %dma_wait3A_329] : memref<2x14336xf32, #tpu.memory_space<vmem>> -> memref<1x4096xf32, #tpu.memory_space<vmem>>
    %dma_wait3A_331 = tpu.memref_squeeze %dma_wait3A_330 : memref<1x4096xf32, #tpu.memory_space<vmem>> -> memref<4096xf32, #tpu.memory_space<vmem>>
    tpu.wait_dma2 semaphore(%arg12 : memref<!tpu.dma_semaphore, #tpu.memory_space<semaphore_mem>>) src(%dma_wait3A_331 : memref<4096xf32, #tpu.memory_space<vmem>>) dst(%dma_wait3A_328 : memref<4096xf32, #tpu.memory_space<hbm>>)
    %dma_wait3A_332 = arith.constant 0 : i32
    %dma_wait3A_333 = arith.constant 6144 : i32
    %dma_wait3A_334 = tpu.memref_slice %arg9[%dma_wait3A_332, %dma_wait3A_333] : memref<2x14336xf32, #tpu.memory_space<vmem>> -> memref<1x8192xf32, #tpu.memory_space<vmem>>
    %dma_wait3A_335 = tpu.memref_squeeze %dma_wait3A_334 : memref<1x8192xf32, #tpu.memory_space<vmem>> -> memref<8192xf32, #tpu.memory_space<vmem>>
    %dma_wait3A_336 = tpu.memref_slice %arg6[%mul3A_222] : memref<1048576xf32, #tpu.memory_space<hbm>> -> memref<8192xf32, #tpu.memory_space<hbm>>
    %dma_wait3A_337 = tpu.memref_slice %arg6[%mul3A_222] : memref<1048576xf32, #tpu.memory_space<hbm>> -> memref<8192xf32, #tpu.memory_space<hbm>>
    %dma_wait3A_338 = arith.constant 6144 : i32
    %dma_wait3A_339 = tpu.memref_slice %arg9[%dma_wait3A_332, %dma_wait3A_338] : memref<2x14336xf32, #tpu.memory_space<vmem>> -> memref<1x8192xf32, #tpu.memory_space<vmem>>
    %dma_wait3A_340 = tpu.memref_squeeze %dma_wait3A_339 : memref<1x8192xf32, #tpu.memory_space<vmem>> -> memref<8192xf32, #tpu.memory_space<vmem>>
    tpu.wait_dma2 semaphore(%arg12 : memref<!tpu.dma_semaphore, #tpu.memory_space<semaphore_mem>>) src(%dma_wait3A_340 : memref<8192xf32, #tpu.memory_space<vmem>>) dst(%dma_wait3A_337 : memref<8192xf32, #tpu.memory_space<hbm>>)
    %dma_wait3A_341 = arith.constant 1 : i32
    %dma_wait3A_342 = arith.constant 0 : i32
    %dma_wait3A_343 = tpu.memref_slice %arg9[%dma_wait3A_341, %dma_wait3A_342] : memref<2x14336xf32, #tpu.memory_space<vmem>> -> memref<1x2048xf32, #tpu.memory_space<vmem>>
    %dma_wait3A_344 = tpu.memref_squeeze %dma_wait3A_343 : memref<1x2048xf32, #tpu.memory_space<vmem>> -> memref<2048xf32, #tpu.memory_space<vmem>>
    %dma_wait3A_345 = tpu.memref_slice %arg4[%mul3A_278] : memref<262144xf32, #tpu.memory_space<hbm>> -> memref<2048xf32, #tpu.memory_space<hbm>>
    %dma_wait3A_346 = tpu.memref_slice %arg4[%mul3A_278] : memref<262144xf32, #tpu.memory_space<hbm>> -> memref<2048xf32, #tpu.memory_space<hbm>>
    %dma_wait3A_347 = arith.constant 0 : i32
    %dma_wait3A_348 = tpu.memref_slice %arg9[%dma_wait3A_341, %dma_wait3A_347] : memref<2x14336xf32, #tpu.memory_space<vmem>> -> memref<1x2048xf32, #tpu.memory_space<vmem>>
    %dma_wait3A_349 = tpu.memref_squeeze %dma_wait3A_348 : memref<1x2048xf32, #tpu.memory_space<vmem>> -> memref<2048xf32, #tpu.memory_space<vmem>>
    tpu.wait_dma2 semaphore(%arg13 : memref<!tpu.dma_semaphore, #tpu.memory_space<semaphore_mem>>) src(%dma_wait3A_349 : memref<2048xf32, #tpu.memory_space<vmem>>) dst(%dma_wait3A_346 : memref<2048xf32, #tpu.memory_space<hbm>>)
    %dma_wait3A_350 = arith.constant 1 : i32
    %dma_wait3A_351 = arith.constant 2048 : i32
    %dma_wait3A_352 = tpu.memref_slice %arg9[%dma_wait3A_350, %dma_wait3A_351] : memref<2x14336xf32, #tpu.memory_space<vmem>> -> memref<1x4096xf32, #tpu.memory_space<vmem>>
    %dma_wait3A_353 = tpu.memref_squeeze %dma_wait3A_352 : memref<1x4096xf32, #tpu.memory_space<vmem>> -> memref<4096xf32, #tpu.memory_space<vmem>>
    %dma_wait3A_354 = tpu.memref_slice %arg5[%mul3A_291] : memref<524288xf32, #tpu.memory_space<hbm>> -> memref<4096xf32, #tpu.memory_space<hbm>>
    %dma_wait3A_355 = tpu.memref_slice %arg5[%mul3A_291] : memref<524288xf32, #tpu.memory_space<hbm>> -> memref<4096xf32, #tpu.memory_space<hbm>>
    %dma_wait3A_356 = arith.constant 2048 : i32
    %dma_wait3A_357 = tpu.memref_slice %arg9[%dma_wait3A_350, %dma_wait3A_356] : memref<2x14336xf32, #tpu.memory_space<vmem>> -> memref<1x4096xf32, #tpu.memory_space<vmem>>
    %dma_wait3A_358 = tpu.memref_squeeze %dma_wait3A_357 : memref<1x4096xf32, #tpu.memory_space<vmem>> -> memref<4096xf32, #tpu.memory_space<vmem>>
    tpu.wait_dma2 semaphore(%arg13 : memref<!tpu.dma_semaphore, #tpu.memory_space<semaphore_mem>>) src(%dma_wait3A_358 : memref<4096xf32, #tpu.memory_space<vmem>>) dst(%dma_wait3A_355 : memref<4096xf32, #tpu.memory_space<hbm>>)
    %dma_wait3A_359 = arith.constant 1 : i32
    %dma_wait3A_360 = arith.constant 6144 : i32
    %dma_wait3A_361 = tpu.memref_slice %arg9[%dma_wait3A_359, %dma_wait3A_360] : memref<2x14336xf32, #tpu.memory_space<vmem>> -> memref<1x8192xf32, #tpu.memory_space<vmem>>
    %dma_wait3A_362 = tpu.memref_squeeze %dma_wait3A_361 : memref<1x8192xf32, #tpu.memory_space<vmem>> -> memref<8192xf32, #tpu.memory_space<vmem>>
    %dma_wait3A_363 = tpu.memref_slice %arg6[%mul3A_304] : memref<1048576xf32, #tpu.memory_space<hbm>> -> memref<8192xf32, #tpu.memory_space<hbm>>
    %dma_wait3A_364 = tpu.memref_slice %arg6[%mul3A_304] : memref<1048576xf32, #tpu.memory_space<hbm>> -> memref<8192xf32, #tpu.memory_space<hbm>>
    %dma_wait3A_365 = arith.constant 6144 : i32
    %dma_wait3A_366 = tpu.memref_slice %arg9[%dma_wait3A_359, %dma_wait3A_365] : memref<2x14336xf32, #tpu.memory_space<vmem>> -> memref<1x8192xf32, #tpu.memory_space<vmem>>
    %dma_wait3A_367 = tpu.memref_squeeze %dma_wait3A_366 : memref<1x8192xf32, #tpu.memory_space<vmem>> -> memref<8192xf32, #tpu.memory_space<vmem>>
    tpu.wait_dma2 semaphore(%arg13 : memref<!tpu.dma_semaphore, #tpu.memory_space<semaphore_mem>>) src(%dma_wait3A_367 : memref<8192xf32, #tpu.memory_space<vmem>>) dst(%dma_wait3A_364 : memref<8192xf32, #tpu.memory_space<hbm>>)
    return
  }
}

</mosaic_0001>

<sc_bundles>
// kernel: kernel.3.cloned.1.call-start
scs
__scs_entry_jumppad:
0x0: {  	(pc) =	sbr.rel $0x88, $3  }
0x1: {  	(tag) =	ssettag $0x0;
	lr =	simm.s32 $0x1  }
0x2: {  	[smem:$0x3F9D] =	sst lr;
	_ =	strace $0xD0000000  }
0x3: {  	_ = 	snop  }
0x4: {  	_ = 	snop  }
0x5: {  	_ = 	snop  }
0x6: {  	_ = 	snop  }
0x7: {  	_ = 	snop  }
__scs_overlays_trampoline_lowered:
0x8: {  	[smem:$0x3FAC] =	sst s0  }
0x9: {  	[smem:$0x3FAD] =	sst s1  }
0xa: {  	[smem:$0x3FAE] =	sst s2  }
0xb: {  	[smem:$0x3FAF] =	sst s3  }
0xc: {  	[smem:$0x3FB0] =	sst s4  }
0xd: {  	[smem:$0x3FB1] =	sst s5  }
0xe: {  	[smem:$0x3FB2] =	sst s6  }
0xf: {  	[smem:$0x3FB3] =	sst s7  }
0x10: {  	[smem:$0x3FB4] =	sst s8  }
0x11: {  	[smem:$0x3FB5] =	sst s9;
	s0 =	simm.s32 @!p0 $0x0  }
0x12: {  	s1 =	sld [smem:$0x3F9B];
	s0 =	simm.s32 @p0 $0x1  }
0x13: {  	[smem:$0x3FB6] =	sst s0;
	s0 =	simm.s32 @!p1 $0x0  }
0x14: {  	s2 =	sld [smem:$0x3F9A];
	s0 =	simm.s32 @p1 $0x1  }
0x15: {  	[smem:$0x3FB7] =	sst s0;
	s0 =	simm.s32 @!p2 $0x0  }
0x16: {  	s3 =	sld [smem:$0x3FDB];
	s0 =	simm.s32 @p2 $0x1  }
0x17: {  	s4 =	simm.s32 $0x1BF5;
	[smem:$0x3FB9] =	sst s0  }
0x18: {  	s0 =	sld [smem:$0x3F9C];
	_ =	swait.ge [sflag:s4], $0x0  }
0x19: {  	s7 =	sld [smem:$0x3F9D]  }
0x1a: {  	s8 =	sadd.s32 $0xFFFFE003, lr  }
0x1b: {  	s9 =	sadd.s32 $0xFFFFFEF7, lr;
	s5 =	simm.s32 $0xFFFFFFFF;
	p2 =	slt.u32 s8, $0xFFFFF086  }
0x1c: {  	p1 =	slt.u32 s9, $0xF7A;
	s5 =	simm.s32 @!p2 $0x0  }
0x1d: {  	s5 =	simm.s32 @p1 $0x1;
	p0 =	seq.s32 s7, s2  }
0x1e: {  	s7 =	smul.u32 @!p0 $0xF7A, s2;
	p2 =	seq.s32 @!p0 s5, $0x0  }
0x1f: {  	s9 =	smul.u32 $0xF7A, s1;
	s8 =	simm.s32 @!p0 $0x1BF5;
	p2 =	por !p2, p0  }
0x20: {  	[sflag:s8] =	ssyncset.s32 @!p0 $0xFFFFF086;
	s6 =	sadd.s32 @!p0 s3, s7;
	s7 =	simm.s32 @!p0 $0x108  }
0x21: {  	s3 =	sadd.s32 s3, s9;
	s6 =	sadd.s32 @!p0 $0x88, s6;
	s7 =	simm.s32 @p2 $0x1082  }
0x22: {  	[simem:s7], [sflag:s8] =	dma.local @!p0 [hbm:s6], $0xF7A  }
0x23: {  	s9 =	sor.u32 $0xD0000000, s2;
	s6 =	simm.s32 $0x108;
	_ =	swait.ge @!p0 [sflag:s8], $0x0  }
0x24: {  	s3 =	sadd.s32 $0x88, s3;
	s6 =	simm.s32 @!p1 $0x1082;
	[sflag:s4] =	ssyncset.s32 $0xFFFFF086  }
0x25: {  	[simem:s6], [sflag:s4] =	dma.local [hbm:s3], $0xF7A  }
0x26: {  	[smem:$0x3F9D] =	sst s1;
	(tag) =	ssettag s2;
	_ =	strace s9  }
0x27: {  	s1 =	sld [smem:$0x3FAD]  }
0x28: {  	s2 =	sld [smem:$0x3FAE]  }
0x29: {  	s4 =	sld [smem:$0x3FB0]  }
0x2a: {  	p0 =	seq.s32 s5, $0x0;
	s5 =	sld [smem:$0x3FB1]  }
0x2b: {  	s6 =	sld [smem:$0x3FB2]  }
0x2c: {  	s7 =	sld [smem:$0x3FB3]  }
0x2d: {  	s3 =	simm.s32 $0x108;
	s8 =	sld [smem:$0x3FB4]  }
0x2e: {  	s3 =	simm.s32 @!p0 $0x1082;
	s9 =	sld [smem:$0x3FB5]  }
0x2f: {  	lr =	sadd.s32 s0, s3;
	s0 =	sld [smem:$0x3FAC]  }
0x30: {  	s3 =	sld [smem:$0x3FAF]  }
0x31: {  	[smem:$0x3FB8] =	sst s10  }
0x32: {  	s10 =	sld [smem:$0x3FB6];
	_ =	sdelay $0x3  }
0x33: {  	p0 =	seq.s32 s10, $0x1;
	s10 =	sld [smem:$0x3FB8];
	_ =	sdelay $0x3  }
0x34: {  	[smem:$0x3FB8] =	sst s10  }
0x35: {  	s10 =	sld [smem:$0x3FB7];
	_ =	sdelay $0x3  }
0x36: {  	p1 =	seq.s32 s10, $0x1;
	s10 =	sld [smem:$0x3FB8];
	_ =	sdelay $0x3  }
0x37: {  	[smem:$0x3FB8] =	sst s10  }
0x38: {  	s10 =	sld [smem:$0x3FB9]  }
0x39: {  	_ = 	snop;
	(pc) =	sbr.ind lr, $3  }
0x3a: {  	_ = 	snop  }
0x3b: {  	_ = 	snop  }
0x3c: {  	p2 =	seq.s32 s10, $0x1;
	s10 =	sld [smem:$0x3FB8]  }
0x3d: {  	_ =	shalt  }
0x3e: {  	_ =	shalt  }
0x3f: {  	_ =	shalt  }
0x40: {  	_ =	shalt  }
0x41: {  	_ =	shalt  }
0x42: {  	_ =	shalt  }
0x43: {  	_ =	shalt  }
0x44: {  	_ =	shalt  }
0x45: {  	_ =	shalt  }
0x46: {  	_ =	shalt  }
0x47: {  	_ =	shalt  }
0x48: {  	_ =	shalt  }
0x49: {  	_ =	shalt  }
0x4a: {  	_ =	shalt  }
0x4b: {  	_ =	shalt  }
0x4c: {  	_ =	shalt  }
0x4d: {  	_ =	shalt  }
0x4e: {  	_ =	shalt  }
0x4f: {  	_ =	shalt  }
0x50: {  	_ =	shalt  }
0x51: {  	_ =	shalt  }
0x52: {  	_ =	shalt  }
0x53: {  	_ =	shalt  }
0x54: {  	_ =	shalt  }
0x55: {  	_ =	shalt  }
0x56: {  	_ =	shalt  }
0x57: {  	_ =	shalt  }
0x58: {  	_ =	shalt  }
0x59: {  	_ =	shalt  }
0x5a: {  	_ =	shalt  }
0x5b: {  	_ =	shalt  }
0x5c: {  	_ =	shalt  }
0x5d: {  	_ =	shalt  }
0x5e: {  	_ =	shalt  }
0x5f: {  	_ =	shalt  }
0x60: {  	_ =	shalt  }
0x61: {  	_ =	shalt  }
0x62: {  	_ =	shalt  }
0x63: {  	_ =	shalt  }
0x64: {  	_ =	shalt  }
0x65: {  	_ =	shalt  }
0x66: {  	_ =	shalt  }
0x67: {  	_ =	shalt  }
0x68: {  	_ =	shalt  }
0x69: {  	_ =	shalt  }
0x6a: {  	_ =	shalt  }
0x6b: {  	_ =	shalt  }
0x6c: {  	_ =	shalt  }
0x6d: {  	_ =	shalt  }
0x6e: {  	_ =	shalt  }
0x6f: {  	_ =	shalt  }
0x70: {  	_ =	shalt  }
0x71: {  	_ =	shalt  }
0x72: {  	_ =	shalt  }
0x73: {  	_ =	shalt  }
0x74: {  	_ =	shalt  }
0x75: {  	_ =	shalt  }
0x76: {  	_ =	shalt  }
0x77: {  	_ =	shalt  }
0x78: {  	_ =	shalt  }
0x79: {  	_ =	shalt  }
0x7a: {  	_ =	shalt  }
0x7b: {  	_ =	shalt  }
0x7c: {  	_ =	shalt  }
0x7d: {  	_ =	shalt  }
0x7e: {  	_ =	shalt  }
0x7f: {  	_ =	shalt  }
0x80: {  	_ =	shalt  }
0x81: {  	_ =	shalt  }
0x82: {  	_ =	shalt  }
0x83: {  	_ =	shalt  }
0x84: {  	_ =	shalt  }
0x85: {  	_ =	shalt  }
0x86: {  	_ =	shalt  }
0x87: {  	_ =	shalt  }
.Lfunc_end0:
.L_simem_size_0:
called_computation_lowered:
.L_overlay_start_0:
0x88: {  	s2 =	sld [smem:$0x3FD9]  }
0x89: {  	s3 =	sld [smem:$0x3FFE];
	_ =	sdelay $0x1  }
0x8a: {  	s1 =	srdreg.scid  }
0x8b: {  	s0 =	sand.u32 $0x1, s1  }
0x8c: {  	s14 =	sshll.u32 s0, $0xA;
	s2 =	sadd.s32 s3, s2  }
0x8d: {  	s2 =	sadd.s32 s2, s14  }
0x8e: {  	[smem:$0x3FC4] =	sst s2  }
0x8f: {  	_ = 	snop  }
0x90: {  	s2 =	sld [smem:$0x3FD0];
	_ =	sdelay $0x2  }
0x91: {  	s4 =	simm.s32 $0xA;
	s5 =	simm.s32 $0x10;
	s15 =	sld [smem:$0x3FC9]  }
0x92: {  	[smem:s5], [sflag:s4] =	dma.local [hbm:s2], $0x1  }
0x93: {  	_ =	swait.eq [sflag:s4], $0x1  }
0x94: {  	s16 =	sld [smem:$0x10];
	[sflag:s4] =	ssyncset.done $0x0  }
0x95: {  	s17 =	sld [smem:$0x11];
	[sflag:s4] =	ssyncadd.s32 $0xFFFFFFFF  }
0x96: {  	s18 =	sld [smem:$0x12];
	(tm) =	ssettm $0x1  }
0x97: {  	s6 =	sld [smem:$0x3FFB];
	_ =	sdelay $0x3  }
0x98: {  	_ =	strace s6  }
0x99: {  	s6 =	sld [smem:$0x3FFC];
	_ =	sdelay $0x3  }
0x9a: {  	_ =	strace s6  }
0x9b: {  	s6 =	sld [smem:$0x3FFD];
	_ =	sdelay $0x3  }
0x9c: {  	_ =	strace s6  }
0x9d: {  	_ =	strace $0x8FFFFFFF  }
0x9e: {  	s19 =	sld [smem:$0x3FDB];
	_ =	sdelay $0x1  }
0x9f: {  	s7 =	simm.s32 $_scs_section_size  }
0xa0: {  	s8 =	simm.s32 $_size__tile_overlayer_lowered;
	s9 =	simm.s32 $_tile_overlayer_lowered  }
0xa1: {  	s22 =	simm.s32 $0x1BFF;
	s21 =	sshll.u32 s9, $0x1;
	s6 =	sadd.s32 s7, s19  }
0xa2: {  	s10 =	simm.s32 $0x0;
	s20 =	sshll.u32 s8, $0x1;
	s8 =	sadd.s32 s21, s6  }
0xa3: {  	[timem:s10], [sflag:s22] =	dma.local [hbm:s8], s20  }
0xa4: {  	_ =	swait.ge [sflag:s22], s20  }
0xa5: {  	s7 =	ssub.s32 $0x0, s20;
	[sflag:s22] =	ssyncset.done $0x0  }
0xa6: {  	[sflag:s22] =	ssyncadd.s32 s7;
	_ =	sdelay $0x1  }
0xa7: {  	s23 =	simm.s32 $0x1B8B  }
0xa8: {  	_ =	swait.ge [sflag:s23], $0x1  }
0xa9: {  	[sflag:s23] =	ssyncset.done $0x0  }
0xaa: {  	s25 =	simm.s32 $0x1B8E;
	s24 =	sld [smem:$0x3FFE];
	[sflag:s23] =	ssyncadd.s32 $0xFFFFFFFF  }
0xab: {  	s26 =	simm.s32 $execute0_lowered;
	[smem:$0x3FD2] =	sst s25  }
0xac: {  	s8 =	sshll.u32 s26, $0x1;
	_ =	strace $0x80000046;
	[dreg:$0x1] =	wrdreg $0xFFFFFFFF  }
0xad: {  	s28 =	simm.s32 $_size_execute0_lowered;
	s6 =	sadd.s32 s6, s8;
	[dreg:$0x0] =	wrdreg $0x0  }
0xae: {  	s8 =	sshll.u32 s28, $0x1;
	[dreg:$0x2] =	wrdreg s6  }
0xaf: {  	[dreg:$0x3] =	wrdreg s8  }
0xb0: {  	[dreg:$0x4] =	wrdreg $0xC0  }
0xb1: {  	_ =	task [dreg:s10], $0x5FFFF  }
0xb2: {  	[dreg:$0x1] =	wrdreg $0xFFFFFFFF  }
0xb3: {  	[dreg:$0x0] =	wrdreg $0x60  }
0xb4: {  	[dreg:$0x2] =	wrdreg s15  }
0xb5: {  	[dreg:$0x3] =	wrdreg s24  }
0xb6: {  	[dreg:$0x4] =	wrdreg s16  }
0xb7: {  	[dreg:$0x5] =	wrdreg s17  }
0xb8: {  	[dreg:$0x6] =	wrdreg s18  }
0xb9: {  	[dreg:$0x7] =	wrdreg $0x9  }
0xba: {  	_ =	task.clear_ibuf [dreg:s10], $0x8FFFF;
	_ =	strace $0x90000046  }
0xbb: {  	s29 =	simm.s32 $0x9;
	_ =	strace $0x80000048  }
0xbc: {  	_ =	swait.ge [sflag:s29], $0x1  }
0xbd: {  	[sflag:s29] =	ssyncadd.s32 $0xFFFFFFFF  }
0xbe: {  	_ =	strace $0x90000048  }
0xbf: {  	_ =	sfence  }
0xc0: {  	s30 =	sld [smem:$0x0];
	_ =	sdelay $0x2  }
0xc1: {  	s31 =	sshll.u32 s1, $0xD;
	s1 =	sshrl.u32 s1, $0x2  }
0xc2: {  	s3 =	sand.u32 $0x4000, s31;
	s1 =	sadd.s32 s1, s30  }
0xc3: {  	s0 =	sor.u32 s3, s0;
	s1 =	sshll.u32 s1, $0x11  }
0xc4: {  	s0 =	sor.u32 s1, s0  }
0xc5: {  	s0 =	sadd.s32 $0x8F2B, s0  }
0xc6: {  	[sflag:s0] =	ssyncadd.remote.s32 $0x1  }
0xc7: {  	_ =	sfence.sel $0xFFFF  }
0xc8: {  	[dreg:$0x0] =	wrdreg $0xFFFFFFFF;
	(pc) =	sbr.abs _section_cstart, $3  }
0xc9: {  	[dreg:$0x1] =	wrdreg $0xFFFFFFFF  }
0xca: {  	_ =	task.clear_ibuf [dreg:s10], $0x2FFFF;
	_ =	strace $0x9FFFFFFF  }
0xcb: {  	(tm) =	ssettm $0x7FFFFFFF  }
tec
execute0_lowered:
.L_overlay_start_1:
0x0: {  	(tag) =	ssettag $0x1  }
0x1: {  	s0 =	rddreg [dreg:$0x0]  }
0x2: {  	s1 =	rddreg [dreg:$0x1]  }
0x3: {  	s4 =	rddreg [dreg:$0x2]  }
0x4: {  	s15 =	rddreg [dreg:$0x3]  }
0x5: {  	s16 =	rddreg [dreg:$0x4];
	s2 =	simm.s32 $0x0;
	s3 =	srdreg.scid  }
0x6: {  	s7 =	stileid.u32;
	s30 =	simm.s32 $0x200;
	s31 =	simm.s32 $0x3  }
0x7: {  	[smem:$0x7FF] =	sst s2;
	s5 =	sand.u32 $0x1, s3;
	s7 =	sshll.u32 s7, $0x1  }
0x8: {  	s3 =	sadd.s32 $0x2DC7400, s1;
	s6 =	ssub.s32 $0x2, s5;
	s7 =	sor.u32 s5, s7  }
0x9: {  	_ =	strace $0x80000047;
	s18 =	sshrl.u32 s6, $0x1;
	s5 =	sshll.u32 s7, $0x6  }
0xa: {  	s19 =	sshll.u32 s7, $0xA;
	s13 =	sshll.u32 s7, $0x9;
	s20 =	sshll.u32 s7, $0xB  }
0xb: {  	s7 =	sshll.u32 s7, $0xC;
	s1 =	ssub.s32 s6, s18;
	s0 =	sadd.s32 s0, s5  }
0xc: {  	s5 =	sadd.s32 s4, s19;
	s10 =	sor.u32 $0x80, s13;
	s6 =	sadd.s32 s15, s20  }
0xd: {  	s7 =	sadd.s32 s16, s7;
	s14 =	sor.u32 $0x100, s13;
	s17 =	sor.u32 $0x180, s13  }
0xe: {  	s19 =	simm.s32 $0x80;
	[dreg:$0x6] =	wrdreg s0;
	s21 =	sshll.u32 s10, $0x1  }
0xf: {  	s22 =	sshll.u32 s10, $0x2;
	s23 =	sshll.u32 s10, $0x3;
	s11 =	sshll.u32 s14, $0x1  }
0x10: {  	s24 =	sshll.u32 s14, $0x2;
	s25 =	sshll.u32 s14, $0x3;
	s26 =	sshll.u32 s17, $0x1  }
0x11: {  	s18 =	sshll.u32 s17, $0x2;
	s28 =	sshll.u32 s17, $0x3;
	s29 =	smax.u32 s1, $0x1  }
0x12: {  	s0 =	simm.s32 $0x4;
	s1 =	simm.s32 $0x0;
	s8 =	sadd.s32 s4, s21  }
0x13: {  	s9 =	sadd.s32 s15, s22;
	s10 =	sadd.s32 s16, s23;
	s11 =	sadd.s32 s4, s11  }
0x14: {  	s12 =	sadd.s32 s15, s24;
	s13 =	sadd.s32 s16, s25;
	s14 =	sadd.s32 s4, s26  }
0x15: {  	s15 =	sadd.s32 s15, s18;
	s16 =	sadd.s32 s16, s28;
	[dreg:$0x7] =	wrdreg s29  }
0x16: {  	s18 =	simm.s32 $0x5;
	s22 =	simm.s32 $0x1;
	s26 =	simm.s32 $0x2  }
.LBB2_1:
0x17: {  	s4 =	rddreg [dreg:$0x6]  }
0x18: {  	[tilespmem:s2], [sflag:$0x5] =	stream.linear.gather [hbm4b:s4+s2], $0x200, $0x38;
	[tilespmem:$0xF200] =	vst v63  }
0x19: {  	_ =	swait.ge [sflag:s18], $0x200  }
0x1a: {  	[sflag:s18] =	ssyncset.done $0x0  }
0x1b: {  	[sflag:s18] =	ssyncadd.s32 $0xFFFFFE00  }
0x1c: {  	[tilespmem:s30], [sflag:$0x1] =	stream.indirect.gather [hbm4b:s3+s19], $0x80, s2, s19, $0xb8;
	[tilespmem:$0xF200] =	vst v63  }
0x1d: {  	s21 =	simm.s32 $0x4200  }
0x1e: {  	[tilespmem:s21], [sflag:$0x2] =	stream.indirect.gather [hbm4b:s3+s19], $0x80, s19, s19, $0xb8;
	[tilespmem:$0xF200] =	vst v63  }
0x1f: {  	_ =	swait.ge [sflag:s22], $0x4000  }
0x20: {  	[sflag:s22] =	ssyncset.done $0x0  }
0x21: {  	s17 =	simm.s32 $0x230;
	[sflag:s22] =	ssyncadd.s32 $0xFFFFC000  }
0x22: {  	v0 =	vld [tilespmem:s17+$0xFFFFFFD0];
	_ =	sdelay $0x2  }
0x23: {  	s23 =	simm.s32 $0x0  }
0x24: {  	s20 =	sand.u32 $0x70, s2;
	s21 =	sand.u32 $0xF00, s23  }
0x25: {  	s20 =	sor.u32 s20, s21;
	v0 =	vmax.f32 v0, $0.0e+00  }
0x26: {  	[tilespmem:s20+$0x8200] =	vst v0  }
0x27: {  	v0 =	vld [tilespmem:s17+$0xFFFFFFE0];
	_ =	sdelay $0x2  }
0x28: {  	s24 =	simm.s32 $0x0  }
0x29: {  	s4 =	sand.u32 $0x60, s23;
	s25 =	sand.u32 $0x1F00, s24  }
0x2a: {  	s4 =	sor.u32 s4, s25;
	v0 =	vmax.f32 v0, $0.0e+00  }
0x2b: {  	[tilespmem:s4+$0x9200] =	vst v0  }
0x2c: {  	v0 =	vld [tilespmem:s17+$0xFFFFFFF0];
	_ =	sdelay $0x2  }
0x2d: {  	s28 =	simm.s32 $0x1020;
	s4 =	simm.s32 $0x810  }
0x2e: {  	s21 =	sand.u32 $0x3F00, s28;
	s23 =	sand.u32 $0x70, s4  }
0x2f: {  	s21 =	sor.u32 s23, s21;
	v0 =	vmax.f32 v0, $0.0e+00  }
0x30: {  	[tilespmem:s21+$0x8200] =	vst v0  }
0x31: {  	v0 =	vld [tilespmem:s17+$0x0];
	_ =	sdelay $0x2  }
0x32: {  	s29 =	simm.s32 $0x0  }
0x33: {  	s20 =	sand.u32 $0x40, s24;
	s21 =	sand.u32 $0x3F00, s29  }
0x34: {  	s20 =	sor.u32 s20, s21;
	v0 =	vmax.f32 v0, $0.0e+00  }
0x35: {  	[tilespmem:s20+$0xB200] =	vst v0  }
0x36: {  	v0 =	vld [tilespmem:s17+$0x10];
	_ =	sdelay $0x2  }
0x37: {  	s23 =	simm.s32 $0x3020;
	s21 =	simm.s32 $0x1810  }
0x38: {  	s20 =	sand.u32 $0x50, s21;
	s21 =	sand.u32 $0x7F00, s23  }
0x39: {  	s20 =	sor.u32 s20, s21;
	v0 =	vmax.f32 v0, $0.0e+00  }
0x3a: {  	[tilespmem:s20+$0x8200] =	vst v0  }
0x3b: {  	v0 =	vld [tilespmem:s17+$0x20];
	_ =	sdelay $0x2  }
0x3c: {  	s25 =	simm.s32 $0x3040;
	s24 =	simm.s32 $0x1820  }
0x3d: {  	s21 =	sand.u32 $0x7F00, s25;
	s20 =	sand.u32 $0x60, s24  }
0x3e: {  	s20 =	sor.u32 s20, s21;
	v0 =	vmax.f32 v0, $0.0e+00  }
0x3f: {  	[tilespmem:s20+$0x8200] =	vst v0  }
0x40: {  	v0 =	vld [tilespmem:s17+$0x30];
	_ =	sdelay $0x2  }
0x41: {  	s28 =	simm.s32 $0x1830;
	s17 =	simm.s32 $0x3060  }
0x42: {  	s23 =	simm.s32 $0x0;
	s21 =	sand.u32 $0x70, s28;
	s29 =	sand.u32 $0x7F00, s17  }
0x43: {  	s20 =	simm.s32 $0x1870;
	s24 =	sor.u32 s21, s29;
	s21 =	simm.s32 $0x2B0;
	v0 =	vmax.f32 v0, $0.0e+00  }
.LBB2_2:
0x44: {  	[tilespmem:s24+$0x8200] =	vst v0;
	s17 =	sadd.s32 $0x80, s17;
	s4 =	sadd.s32 $0x20, s4;
	s23 =	sadd.s32 $0x10, s23  }
0x45: {  	p0 =	sne.s32 s20, $0x37F0;
	s24 =	smov.u32 s20;
	s20 =	sadd.s32 $0x40, s20;
	v0 =	vld [tilespmem:s21+$0xFFFFFFD0]  }
0x46: {  	_ =	sdelay $0x1  }
0x47: {  	s25 =	sadd.s32 $0xFFFFF7F0, s4  }
0x48: {  	s28 =	sand.u32 $0x70, s23;
	s29 =	sand.u32 $0xF00, s25;
	s25 =	sand.u32 $0x60, s25  }
0x49: {  	s28 =	sor.u32 s28, s29;
	v0 =	vmax.f32 v0, $0.0e+00  }
0x4a: {  	[tilespmem:s28+$0x8200] =	vst v0  }
0x4b: {  	v0 =	vld [tilespmem:s21+$0xFFFFFFE0];
	_ =	sdelay $0x2  }
0x4c: {  	s28 =	sadd.s32 $0xFFFFE7D0, s24  }
0x4d: {  	s29 =	sand.u32 $0x1F00, s28;
	s28 =	sand.u32 $0x40, s28  }
0x4e: {  	s25 =	sor.u32 s25, s29;
	v0 =	vmax.f32 v0, $0.0e+00  }
0x4f: {  	[tilespmem:s25+$0x9200] =	vst v0  }
0x50: {  	v0 =	vld [tilespmem:s21+$0xFFFFFFF0];
	_ =	sdelay $0x2  }
0x51: {  	s25 =	sadd.s32 $0xFFFFF7F0, s24  }
0x52: {  	s29 =	sand.u32 $0x70, s4;
	s25 =	sand.u32 $0x3F00, s25  }
0x53: {  	s25 =	sor.u32 s29, s25;
	v0 =	vmax.f32 v0, $0.0e+00  }
0x54: {  	[tilespmem:s25+$0x8200] =	vst v0  }
0x55: {  	v0 =	vld [tilespmem:s21+$0x0];
	_ =	sdelay $0x2  }
0x56: {  	s25 =	sadd.s32 $0xFFFFCFA0, s17  }
0x57: {  	s25 =	sand.u32 $0x3F00, s25  }
0x58: {  	s25 =	sor.u32 s28, s25;
	v0 =	vmax.f32 v0, $0.0e+00  }
0x59: {  	[tilespmem:s25+$0xB200] =	vst v0  }
0x5a: {  	v0 =	vld [tilespmem:s21+$0x10];
	_ =	sdelay $0x2  }
0x5b: {  	s28 =	sadd.s32 $0xFFFFFFC0, s17;
	s25 =	sadd.s32 $0xFFFFFFE0, s24  }
0x5c: {  	s28 =	sand.u32 $0x7F00, s28;
	s25 =	sand.u32 $0x50, s25  }
0x5d: {  	s25 =	sor.u32 s25, s28;
	v0 =	vmax.f32 v0, $0.0e+00  }
0x5e: {  	[tilespmem:s25+$0x8200] =	vst v0  }
0x5f: {  	v0 =	vld [tilespmem:s21+$0x20];
	_ =	sdelay $0x2  }
0x60: {  	s28 =	sadd.s32 $0xFFFFFFE0, s17;
	s25 =	sadd.s32 $0xFFFFFFF0, s24  }
0x61: {  	s28 =	sand.u32 $0x7F00, s28;
	s25 =	sand.u32 $0x60, s25  }
0x62: {  	s25 =	sor.u32 s25, s28;
	v0 =	vmax.f32 v0, $0.0e+00  }
0x63: {  	[tilespmem:s25+$0x8200] =	vst v0  }
0x64: {  	v0 =	vld [tilespmem:s21+$0x30]  }
.Ltmp0:
0x65: {  	(pc) =	sbr.rel @p0 .LBB2_2-.Ltmp0, $3  }
0x66: {  	_ =	sdelay $0x1  }
0x67: {  	s24 =	sand.u32 $0x70, s24;
	s25 =	sand.u32 $0x7F00, s17  }
0x68: {  	s24 =	sor.u32 s24, s25;
	s21 =	sadd.s32 $0x80, s21;
	v0 =	vmax.f32 v0, $0.0e+00  }
0x69: {  	[tilespmem:s24+$0x8200] =	vst v0;
	s4 =	simm.s32 $0x0;
	s17 =	simm.s32 $0x8200  }
0x6a: {  	[hbm4b:s5+s4] =	stream.linear.scatter [tilespmem:s17], [sflag:$0x3], $0x80, $0x38;
	[tilespmem:$0xF200] =	vst v63  }
0x6b: {  	s23 =	sadd.s32 $0x10, s5;
	s20 =	simm.s32 $0x8300  }
0x6c: {  	[hbm4b:s23+s4] =	stream.linear.scatter [tilespmem:s20], [sflag:$0x3], $0x80, $0x38;
	[tilespmem:$0xF200] =	vst v63  }
0x6d: {  	s24 =	sadd.s32 $0x20, s5;
	s25 =	simm.s32 $0x8400  }
0x6e: {  	[hbm4b:s24+s4] =	stream.linear.scatter [tilespmem:s25], [sflag:$0x3], $0x80, $0x38;
	[tilespmem:$0xF200] =	vst v63  }
0x6f: {  	s28 =	sadd.s32 $0x30, s5;
	s29 =	simm.s32 $0x8500  }
0x70: {  	[hbm4b:s28+s4] =	stream.linear.scatter [tilespmem:s29], [sflag:$0x3], $0x80, $0x38;
	[tilespmem:$0xF200] =	vst v63  }
0x71: {  	s21 =	sadd.s32 $0x40, s5;
	s23 =	simm.s32 $0x8600  }
0x72: {  	[hbm4b:s21+s4] =	stream.linear.scatter [tilespmem:s23], [sflag:$0x3], $0x80, $0x38;
	[tilespmem:$0xF200] =	vst v63  }
0x73: {  	s24 =	sadd.s32 $0x50, s5;
	s25 =	simm.s32 $0x8700  }
0x74: {  	[hbm4b:s24+s4] =	stream.linear.scatter [tilespmem:s25], [sflag:$0x3], $0x80, $0x38;
	[tilespmem:$0xF200] =	vst v63  }
0x75: {  	s28 =	sadd.s32 $0x60, s5;
	s29 =	simm.s32 $0x8800  }
0x76: {  	[hbm4b:s28+s4] =	stream.linear.scatter [tilespmem:s29], [sflag:$0x3], $0x80, $0x38;
	[tilespmem:$0xF200] =	vst v63  }
0x77: {  	s21 =	sadd.s32 $0x70, s5;
	s23 =	simm.s32 $0x8900  }
0x78: {  	[hbm4b:s21+s4] =	stream.linear.scatter [tilespmem:s23], [sflag:$0x3], $0x80, $0x38;
	[tilespmem:$0xF200] =	vst v63  }
0x79: {  	s24 =	sadd.s32 $0x80, s5;
	s25 =	simm.s32 $0x8A00  }
0x7a: {  	[hbm4b:s24+s4] =	stream.linear.scatter [tilespmem:s25], [sflag:$0x3], $0x80, $0x38;
	[tilespmem:$0xF200] =	vst v63  }
0x7b: {  	s28 =	sadd.s32 $0x90, s5;
	s29 =	simm.s32 $0x8B00  }
0x7c: {  	[hbm4b:s28+s4] =	stream.linear.scatter [tilespmem:s29], [sflag:$0x3], $0x80, $0x38;
	[tilespmem:$0xF200] =	vst v63  }
0x7d: {  	s21 =	sadd.s32 $0xA0, s5;
	s23 =	simm.s32 $0x8C00  }
0x7e: {  	[hbm4b:s21+s4] =	stream.linear.scatter [tilespmem:s23], [sflag:$0x3], $0x80, $0x38;
	[tilespmem:$0xF200] =	vst v63  }
0x7f: {  	s24 =	sadd.s32 $0xB0, s5;
	s25 =	simm.s32 $0x8D00  }
0x80: {  	[hbm4b:s24+s4] =	stream.linear.scatter [tilespmem:s25], [sflag:$0x3], $0x80, $0x38;
	[tilespmem:$0xF200] =	vst v63  }
0x81: {  	s28 =	sadd.s32 $0xC0, s5;
	s29 =	simm.s32 $0x8E00  }
0x82: {  	[hbm4b:s28+s4] =	stream.linear.scatter [tilespmem:s29], [sflag:$0x3], $0x80, $0x38;
	[tilespmem:$0xF200] =	vst v63  }
0x83: {  	s21 =	sadd.s32 $0xD0, s5;
	s23 =	simm.s32 $0x8F00  }
0x84: {  	[hbm4b:s21+s4] =	stream.linear.scatter [tilespmem:s23], [sflag:$0x3], $0x80, $0x38;
	[tilespmem:$0xF200] =	vst v63  }
0x85: {  	s24 =	sadd.s32 $0xE0, s5;
	s25 =	simm.s32 $0x9000  }
0x86: {  	[hbm4b:s24+s4] =	stream.linear.scatter [tilespmem:s25], [sflag:$0x3], $0x80, $0x38;
	[tilespmem:$0xF200] =	vst v63  }
0x87: {  	s17 =	simm.s32 $0x10;
	s28 =	sadd.s32 $0xF0, s5;
	s29 =	simm.s32 $0x9100  }
0x88: {  	[hbm4b:s28+s4] =	stream.linear.scatter [tilespmem:s29], [sflag:$0x3], $0x80, $0x38;
	[tilespmem:$0xF200] =	vst v63  }
0x89: {  	s20 =	simm.s32 $0x9300;
	s21 =	sadd.s32 $0x0, s6;
	s4 =	simm.s32 $0x9200  }
.LBB2_4:
0x8a: {  	[hbm4b:s21+s2] =	stream.linear.scatter [tilespmem:s4], [sflag:$0x3], $0x80, $0x38;
	[tilespmem:$0xF200] =	vst v63  }
0x8b: {  	s21 =	smov.u32 s17;
	s4 =	smov.u32 s20;
	p0 =	sne.s32 s17, $0x1F0  }
.Ltmp1:
0x8c: {  	s17 =	sadd.s32 $0x10, s17;
	(pc) =	sbr.rel @p0 .LBB2_4-.Ltmp1, $2  }
0x8d: {  	_ =	sdelay $0x2  }
0x8e: {  	s20 =	sadd.s32 $0x100, s20;
	s21 =	sadd.s32 s21, s6  }
0x8f: {  	[hbm4b:s21+s2] =	stream.linear.scatter [tilespmem:s4], [sflag:$0x3], $0x80, $0x38;
	[tilespmem:$0xF200] =	vst v63  }
0x90: {  	s4 =	simm.s32 $0xB200  }
0x91: {  	s17 =	simm.s32 $0x10;
	s21 =	sadd.s32 $0x0, s7;
	s20 =	simm.s32 $0xB300  }
.LBB2_6:
0x92: {  	[hbm4b:s21+s2] =	stream.linear.scatter [tilespmem:s4], [sflag:$0x3], $0x80, $0x38;
	[tilespmem:$0xF200] =	vst v63  }
0x93: {  	s21 =	smov.u32 s17;
	s4 =	smov.u32 s20;
	p0 =	sne.s32 s17, $0x3F0  }
.Ltmp2:
0x94: {  	s17 =	sadd.s32 $0x10, s17;
	(pc) =	sbr.rel @p0 .LBB2_6-.Ltmp2, $2  }
0x95: {  	_ =	sdelay $0x2  }
0x96: {  	s20 =	sadd.s32 $0x100, s20;
	s21 =	sadd.s32 s21, s7  }
0x97: {  	[hbm4b:s21+s2] =	stream.linear.scatter [tilespmem:s4], [sflag:$0x3], $0x80, $0x38;
	[tilespmem:$0xF200] =	vst v63  }
0x98: {  	s28 =	simm.s32 $0x100  }
0x99: {  	[tilespmem:s30], [sflag:$0x1] =	stream.indirect.gather [hbm4b:s3+s19], $0x80, s28, s19, $0xb8;
	[tilespmem:$0xF200] =	vst v63  }
0x9a: {  	_ =	swait.ge [sflag:s26], $0x4000  }
0x9b: {  	[sflag:s26] =	ssyncset.done $0x0  }
0x9c: {  	s4 =	simm.s32 $0x0;
	[sflag:s26] =	ssyncadd.s32 $0xFFFFC000  }
0x9d: {  	v0 =	vld [tilespmem:s4+$0x4200];
	_ =	sdelay $0x2  }
0x9e: {  	s17 =	simm.s32 $0x0;
	s20 =	simm.s32 $0x0  }
0x9f: {  	s17 =	sand.u32 $0x70, s17;
	s30 =	sand.u32 $0xF00, s20  }
0xa0: {  	s17 =	sor.u32 s17, s30;
	v0 =	vmax.f32 v0, $0.0e+00  }
0xa1: {  	[tilespmem:s17+$0x8280] =	vst v0  }
0xa2: {  	v0 =	vld [tilespmem:s4+$0x4210];
	_ =	sdelay $0x2  }
0xa3: {  	s23 =	simm.s32 $0x0  }
0xa4: {  	s24 =	sand.u32 $0x1F00, s23;
	s20 =	sand.u32 $0x60, s20  }
0xa5: {  	s20 =	sor.u32 s20, s24;
	v0 =	vmax.f32 v0, $0.0e+00  }
0xa6: {  	[tilespmem:s20+$0x9280] =	vst v0  }
0xa7: {  	v0 =	vld [tilespmem:s4+$0x4220];
	_ =	sdelay $0x2  }
0xa8: {  	s25 =	simm.s32 $0x810;
	s28 =	simm.s32 $0x1020  }
0xa9: {  	s21 =	sand.u32 $0x3F00, s28;
	s20 =	sand.u32 $0x70, s25  }
0xaa: {  	s20 =	sor.u32 s20, s21;
	v0 =	vmax.f32 v0, $0.0e+00  }
0xab: {  	[tilespmem:s20+$0x8280] =	vst v0  }
0xac: {  	v0 =	vld [tilespmem:s4+$0x4230];
	_ =	sdelay $0x2  }
0xad: {  	s30 =	simm.s32 $0x0  }
0xae: {  	s17 =	sand.u32 $0x40, s23;
	s20 =	sand.u32 $0x3F00, s30  }
0xaf: {  	s17 =	sor.u32 s17, s20;
	v0 =	vmax.f32 v0, $0.0e+00  }
0xb0: {  	[tilespmem:s17+$0xB280] =	vst v0  }
0xb1: {  	v0 =	vld [tilespmem:s4+$0x4240];
	_ =	sdelay $0x2  }
0xb2: {  	s23 =	simm.s32 $0x3020;
	s21 =	simm.s32 $0x1810  }
0xb3: {  	s20 =	sand.u32 $0x7F00, s23;
	s17 =	sand.u32 $0x50, s21  }
0xb4: {  	s17 =	sor.u32 s17, s20;
	v0 =	vmax.f32 v0, $0.0e+00  }
0xb5: {  	[tilespmem:s17+$0x8280] =	vst v0  }
0xb6: {  	v0 =	vld [tilespmem:s4+$0x4250];
	_ =	sdelay $0x2  }
0xb7: {  	s24 =	simm.s32 $0x1820;
	s25 =	simm.s32 $0x3040  }
0xb8: {  	s20 =	sand.u32 $0x7F00, s25;
	s17 =	sand.u32 $0x60, s24  }
0xb9: {  	s17 =	sor.u32 s17, s20;
	v0 =	vmax.f32 v0, $0.0e+00  }
0xba: {  	[tilespmem:s17+$0x8280] =	vst v0  }
0xbb: {  	v0 =	vld [tilespmem:s4+$0x4260];
	_ =	sdelay $0x1  }
0xbc: {  	s28 =	simm.s32 $0x1830  }
0xbd: {  	s23 =	simm.s32 $0x200;
	s21 =	simm.s32 $0x830;
	s20 =	simm.s32 $0x3060  }
0xbe: {  	s24 =	simm.s32 $0x400;
	s30 =	sand.u32 $0x7F00, s20;
	s4 =	sand.u32 $0x70, s28  }
0xbf: {  	s17 =	simm.s32 $0x10;
	s29 =	sor.u32 s4, s30;
	s4 =	simm.s32 $0x1870;
	v0 =	vmax.f32 v0, $0.0e+00  }
.LBB2_8:
0xc0: {  	s25 =	sshra.s32 s23, $0x2  }
0xc1: {  	[tilespmem:s29+$0x8280] =	vst v0;
	s20 =	sadd.s32 $0x80, s20;
	s23 =	smov.u32 s24;
	s28 =	sadd.s32 $0x200, s24  }
0xc2: {  	p0 =	sne.s32 s24, $0xFE00;
	v0 =	vld [tilespmem:s25+$0x4200];
	_ =	sdelay $0x2  }
0xc3: {  	s24 =	sadd.s32 $0xFFFFF7F0, s21  }
0xc4: {  	s29 =	sand.u32 $0x70, s17;
	s30 =	sand.u32 $0xF00, s24;
	s24 =	sand.u32 $0x60, s24  }
0xc5: {  	s29 =	sor.u32 s29, s30;
	v0 =	vmax.f32 v0, $0.0e+00  }
0xc6: {  	[tilespmem:s29+$0x8280] =	vst v0  }
0xc7: {  	v0 =	vld [tilespmem:s25+$0x4210];
	_ =	sdelay $0x2  }
0xc8: {  	s29 =	sadd.s32 $0xFFFFE7D0, s4  }
0xc9: {  	s30 =	sand.u32 $0x1F00, s29;
	s29 =	sand.u32 $0x40, s29  }
0xca: {  	s24 =	sor.u32 s24, s30;
	v0 =	vmax.f32 v0, $0.0e+00  }
0xcb: {  	[tilespmem:s24+$0x9280] =	vst v0  }
0xcc: {  	v0 =	vld [tilespmem:s25+$0x4220];
	_ =	sdelay $0x2  }
0xcd: {  	s24 =	sadd.s32 $0xFFFFF7F0, s4  }
0xce: {  	s30 =	sand.u32 $0x70, s21;
	s24 =	sand.u32 $0x3F00, s24  }
0xcf: {  	s24 =	sor.u32 s30, s24;
	v0 =	vmax.f32 v0, $0.0e+00  }
0xd0: {  	[tilespmem:s24+$0x8280] =	vst v0  }
0xd1: {  	v0 =	vld [tilespmem:s25+$0x4230];
	_ =	sdelay $0x2  }
0xd2: {  	s24 =	sadd.s32 $0xFFFFCFA0, s20  }
0xd3: {  	s24 =	sand.u32 $0x3F00, s24  }
0xd4: {  	s24 =	sor.u32 s29, s24;
	v0 =	vmax.f32 v0, $0.0e+00  }
0xd5: {  	[tilespmem:s24+$0xB280] =	vst v0  }
0xd6: {  	v0 =	vld [tilespmem:s25+$0x4240];
	_ =	sdelay $0x2  }
0xd7: {  	s29 =	sadd.s32 $0xFFFFFFC0, s20;
	s24 =	sadd.s32 $0xFFFFFFE0, s4  }
0xd8: {  	s29 =	sand.u32 $0x7F00, s29;
	s24 =	sand.u32 $0x50, s24  }
0xd9: {  	s24 =	sor.u32 s24, s29;
	v0 =	vmax.f32 v0, $0.0e+00  }
0xda: {  	[tilespmem:s24+$0x8280] =	vst v0  }
0xdb: {  	v0 =	vld [tilespmem:s25+$0x4250];
	_ =	sdelay $0x2  }
0xdc: {  	s29 =	sadd.s32 $0xFFFFFFE0, s20;
	s24 =	sadd.s32 $0xFFFFFFF0, s4  }
0xdd: {  	s29 =	sand.u32 $0x7F00, s29;
	s24 =	sand.u32 $0x60, s24  }
0xde: {  	s24 =	sor.u32 s24, s29;
	v0 =	vmax.f32 v0, $0.0e+00  }
0xdf: {  	[tilespmem:s24+$0x8280] =	vst v0  }
0xe0: {  	v0 =	vld [tilespmem:s25+$0x4260]  }
.Ltmp3:
0xe1: {  	(pc) =	sbr.rel @p0 .LBB2_8-.Ltmp3, $4  }
0xe2: {  	_ = 	snop  }
0xe3: {  	s17 =	sadd.s32 $0x10, s17  }
0xe4: {  	s21 =	sadd.s32 $0x20, s21;
	s24 =	sand.u32 $0x70, s4;
	s25 =	sand.u32 $0x7F00, s20  }
0xe5: {  	s4 =	sadd.s32 $0x40, s4;
	s29 =	sor.u32 s24, s25;
	s24 =	smov.u32 s28;
	v0 =	vmax.f32 v0, $0.0e+00  }
0xe6: {  	s23 =	sshra.s32 s23, $0x2;
	[tilespmem:s29+$0x8280] =	vst v0  }
0xe7: {  	v0 =	vld [tilespmem:s23+$0x4200];
	_ =	sdelay $0x2  }
0xe8: {  	s24 =	sadd.s32 $0xFFFFF7F0, s21  }
0xe9: {  	s17 =	sand.u32 $0x70, s17;
	s25 =	sand.u32 $0xF00, s24  }
0xea: {  	s17 =	sor.u32 s17, s25;
	v0 =	vmax.f32 v0, $0.0e+00  }
0xeb: {  	[tilespmem:s17+$0x8280] =	vst v0  }
0xec: {  	v0 =	vld [tilespmem:s23+$0x4210];
	_ =	sdelay $0x2  }
0xed: {  	s17 =	sadd.s32 $0xFFFFE7D0, s4  }
0xee: {  	s24 =	sand.u32 $0x60, s24;
	s28 =	sand.u32 $0x1F00, s17  }
0xef: {  	s24 =	sor.u32 s24, s28;
	v0 =	vmax.f32 v0, $0.0e+00  }
0xf0: {  	[tilespmem:s24+$0x9280] =	vst v0  }
0xf1: {  	v0 =	vld [tilespmem:s23+$0x4220];
	_ =	sdelay $0x2  }
0xf2: {  	s29 =	sadd.s32 $0xFFFFF7F0, s4  }
0xf3: {  	s30 =	sand.u32 $0x70, s21;
	s24 =	sand.u32 $0x3F00, s29  }
0xf4: {  	s21 =	sor.u32 s30, s24;
	v0 =	vmax.f32 v0, $0.0e+00  }
0xf5: {  	[tilespmem:s21+$0x8280] =	vst v0  }
0xf6: {  	v0 =	vld [tilespmem:s23+$0x4230];
	_ =	sdelay $0x1  }
0xf7: {  	s20 =	sadd.s32 $0x80, s20  }
0xf8: {  	s24 =	sadd.s32 $0xFFFFCFA0, s20  }
0xf9: {  	s17 =	sand.u32 $0x40, s17;
	s21 =	sand.u32 $0x3F00, s24  }
0xfa: {  	s17 =	sor.u32 s17, s21;
	v0 =	vmax.f32 v0, $0.0e+00  }
0xfb: {  	[tilespmem:s17+$0xB280] =	vst v0  }
0xfc: {  	v0 =	vld [tilespmem:s23+$0x4240];
	_ =	sdelay $0x2  }
0xfd: {  	s25 =	sadd.s32 $0xFFFFFFE0, s4;
	s28 =	sadd.s32 $0xFFFFFFC0, s20  }
0xfe: {  	s21 =	sand.u32 $0x7F00, s28;
	s17 =	sand.u32 $0x50, s25  }
0xff: {  	s17 =	sor.u32 s17, s21;
	v0 =	vmax.f32 v0, $0.0e+00  }
0x100: {  	[tilespmem:s17+$0x8280] =	vst v0  }
0x101: {  	v0 =	vld [tilespmem:s23+$0x4250];
	_ =	sdelay $0x2  }
0x102: {  	s29 =	sadd.s32 $0xFFFFFFF0, s4;
	s30 =	sadd.s32 $0xFFFFFFE0, s20  }
0x103: {  	s21 =	sand.u32 $0x7F00, s30;
	s17 =	sand.u32 $0x60, s29  }
0x104: {  	s17 =	sor.u32 s17, s21;
	v0 =	vmax.f32 v0, $0.0e+00  }
0x105: {  	[tilespmem:s17+$0x8280] =	vst v0  }
0x106: {  	v0 =	vld [tilespmem:s23+$0x4260];
	_ =	sdelay $0x3  }
0x107: {  	s20 =	sand.u32 $0x7F00, s20;
	s17 =	sand.u32 $0x70, s4  }
0x108: {  	s4 =	sor.u32 s17, s20;
	v0 =	vmax.f32 v0, $0.0e+00  }
0x109: {  	s21 =	simm.s32 $0x8280;
	[tilespmem:s4+$0x8280] =	vst v0;
	s4 =	simm.s32 $0x0  }
0x10a: {  	[hbm4b:s8+s4] =	stream.linear.scatter [tilespmem:s21], [sflag:$0x4], $0x80, $0x38;
	[tilespmem:$0xF200] =	vst v63  }
0x10b: {  	s24 =	simm.s32 $0x8380;
	s23 =	sadd.s32 $0x10, s8  }
0x10c: {  	[hbm4b:s23+s4] =	stream.linear.scatter [tilespmem:s24], [sflag:$0x4], $0x80, $0x38;
	[tilespmem:$0xF200] =	vst v63  }
0x10d: {  	s28 =	simm.s32 $0x8480;
	s25 =	sadd.s32 $0x20, s8  }
0x10e: {  	[hbm4b:s25+s4] =	stream.linear.scatter [tilespmem:s28], [sflag:$0x4], $0x80, $0x38;
	[tilespmem:$0xF200] =	vst v63  }
0x10f: {  	s30 =	simm.s32 $0x8580;
	s29 =	sadd.s32 $0x30, s8  }
0x110: {  	[hbm4b:s29+s4] =	stream.linear.scatter [tilespmem:s30], [sflag:$0x4], $0x80, $0x38;
	[tilespmem:$0xF200] =	vst v63  }
0x111: {  	s20 =	sadd.s32 $0x40, s8;
	s21 =	simm.s32 $0x8680  }
0x112: {  	[hbm4b:s20+s4] =	stream.linear.scatter [tilespmem:s21], [sflag:$0x4], $0x80, $0x38;
	[tilespmem:$0xF200] =	vst v63  }
0x113: {  	s23 =	sadd.s32 $0x50, s8;
	s24 =	simm.s32 $0x8780  }
0x114: {  	[hbm4b:s23+s4] =	stream.linear.scatter [tilespmem:s24], [sflag:$0x4], $0x80, $0x38;
	[tilespmem:$0xF200] =	vst v63  }
0x115: {  	s25 =	sadd.s32 $0x60, s8;
	s28 =	simm.s32 $0x8880  }
0x116: {  	[hbm4b:s25+s4] =	stream.linear.scatter [tilespmem:s28], [sflag:$0x4], $0x80, $0x38;
	[tilespmem:$0xF200] =	vst v63  }
0x117: {  	s29 =	sadd.s32 $0x70, s8;
	s30 =	simm.s32 $0x8980  }
0x118: {  	[hbm4b:s29+s4] =	stream.linear.scatter [tilespmem:s30], [sflag:$0x4], $0x80, $0x38;
	[tilespmem:$0xF200] =	vst v63  }
0x119: {  	s20 =	sadd.s32 $0x80, s8;
	s21 =	simm.s32 $0x8A80  }
0x11a: {  	[hbm4b:s20+s4] =	stream.linear.scatter [tilespmem:s21], [sflag:$0x4], $0x80, $0x38;
	[tilespmem:$0xF200] =	vst v63  }
0x11b: {  	s23 =	sadd.s32 $0x90, s8;
	s24 =	simm.s32 $0x8B80  }
0x11c: {  	[hbm4b:s23+s4] =	stream.linear.scatter [tilespmem:s24], [sflag:$0x4], $0x80, $0x38;
	[tilespmem:$0xF200] =	vst v63  }
0x11d: {  	s25 =	sadd.s32 $0xA0, s8;
	s28 =	simm.s32 $0x8C80  }
0x11e: {  	[hbm4b:s25+s4] =	stream.linear.scatter [tilespmem:s28], [sflag:$0x4], $0x80, $0x38;
	[tilespmem:$0xF200] =	vst v63  }
0x11f: {  	s29 =	sadd.s32 $0xB0, s8;
	s30 =	simm.s32 $0x8D80  }
0x120: {  	[hbm4b:s29+s4] =	stream.linear.scatter [tilespmem:s30], [sflag:$0x4], $0x80, $0x38;
	[tilespmem:$0xF200] =	vst v63  }
0x121: {  	s20 =	sadd.s32 $0xC0, s8;
	s21 =	simm.s32 $0x8E80  }
0x122: {  	[hbm4b:s20+s4] =	stream.linear.scatter [tilespmem:s21], [sflag:$0x4], $0x80, $0x38;
	[tilespmem:$0xF200] =	vst v63  }
0x123: {  	s23 =	sadd.s32 $0xD0, s8;
	s24 =	simm.s32 $0x8F80  }
0x124: {  	[hbm4b:s23+s4] =	stream.linear.scatter [tilespmem:s24], [sflag:$0x4], $0x80, $0x38;
	[tilespmem:$0xF200] =	vst v63  }
0x125: {  	s25 =	sadd.s32 $0xE0, s8;
	s28 =	simm.s32 $0x9080  }
0x126: {  	[hbm4b:s25+s4] =	stream.linear.scatter [tilespmem:s28], [sflag:$0x4], $0x80, $0x38;
	[tilespmem:$0xF200] =	vst v63  }
0x127: {  	s17 =	simm.s32 $0x10;
	s29 =	sadd.s32 $0xF0, s8;
	s30 =	simm.s32 $0x9180  }
0x128: {  	[hbm4b:s29+s4] =	stream.linear.scatter [tilespmem:s30], [sflag:$0x4], $0x80, $0x38;
	[tilespmem:$0xF200] =	vst v63  }
0x129: {  	s21 =	sadd.s32 $0x0, s9;
	s20 =	simm.s32 $0x9380;
	s4 =	simm.s32 $0x9280  }
.LBB2_10:
0x12a: {  	[hbm4b:s21+s2] =	stream.linear.scatter [tilespmem:s4], [sflag:$0x4], $0x80, $0x38;
	[tilespmem:$0xF200] =	vst v63  }
0x12b: {  	s21 =	smov.u32 s17;
	s4 =	smov.u32 s20;
	p0 =	sne.s32 s17, $0x1F0  }
.Ltmp4:
0x12c: {  	s17 =	sadd.s32 $0x10, s17;
	(pc) =	sbr.rel @p0 .LBB2_10-.Ltmp4, $2  }
0x12d: {  	_ =	sdelay $0x2  }
0x12e: {  	s20 =	sadd.s32 $0x100, s20;
	s21 =	sadd.s32 s21, s9  }
0x12f: {  	[hbm4b:s21+s2] =	stream.linear.scatter [tilespmem:s4], [sflag:$0x4], $0x80, $0x38;
	[tilespmem:$0xF200] =	vst v63  }
0x130: {  	s4 =	simm.s32 $0xB280  }
0x131: {  	s17 =	simm.s32 $0x10;
	s21 =	sadd.s32 $0x0, s10;
	s20 =	simm.s32 $0xB380  }
.LBB2_12:
0x132: {  	[hbm4b:s21+s2] =	stream.linear.scatter [tilespmem:s4], [sflag:$0x4], $0x80, $0x38;
	[tilespmem:$0xF200] =	vst v63  }
0x133: {  	s21 =	smov.u32 s17;
	s4 =	smov.u32 s20;
	p0 =	sne.s32 s17, $0x3F0  }
.Ltmp5:
0x134: {  	s17 =	sadd.s32 $0x10, s17;
	(pc) =	sbr.rel @p0 .LBB2_12-.Ltmp5, $2  }
0x135: {  	_ =	sdelay $0x2  }
0x136: {  	s20 =	sadd.s32 $0x100, s20;
	s21 =	sadd.s32 s21, s10  }
0x137: {  	[hbm4b:s21+s2] =	stream.linear.scatter [tilespmem:s4], [sflag:$0x4], $0x80, $0x38;
	[tilespmem:$0xF200] =	vst v63  }
0x138: {  	s28 =	simm.s32 $0x4200;
	s17 =	simm.s32 $0x180  }
0x139: {  	[tilespmem:s28], [sflag:$0x2] =	stream.indirect.gather [hbm4b:s3+s19], $0x80, s17, s19, $0xb8;
	[tilespmem:$0xF200] =	vst v63  }
0x13a: {  	_ =	swait.ge [sflag:s22], $0x4000  }
0x13b: {  	[sflag:s22] =	ssyncset.done $0x0  }
0x13c: {  	[sflag:s22] =	ssyncadd.s32 $0xFFFFC000  }
0x13d: {  	_ =	swait.ge [sflag:s31], $0x800  }
0x13e: {  	[sflag:s31] =	ssyncset.done $0x0  }
0x13f: {  	[sflag:s31] =	ssyncadd.s32 $0xFFFFF800  }
0x140: {  	_ =	swait.ge [sflag:s31], $0x1000  }
0x141: {  	[sflag:s31] =	ssyncset.done $0x0  }
0x142: {  	[sflag:s31] =	ssyncadd.s32 $0xFFFFF000  }
0x143: {  	_ =	swait.ge [sflag:s31], $0x2000  }
0x144: {  	[sflag:s31] =	ssyncset.done $0x0  }
0x145: {  	s17 =	simm.s32 $0x230;
	[sflag:s31] =	ssyncadd.s32 $0xFFFFE000  }
0x146: {  	v0 =	vld [tilespmem:s17+$0xFFFFFFD0];
	_ =	sdelay $0x2  }
0x147: {  	s4 =	simm.s32 $0x0;
	s20 =	simm.s32 $0x0  }
0x148: {  	s29 =	sand.u32 $0x70, s4;
	s23 =	sand.u32 $0xF00, s20  }
0x149: {  	s21 =	sor.u32 s29, s23;
	v0 =	vmax.f32 v0, $0.0e+00  }
0x14a: {  	[tilespmem:s21+$0x8200] =	vst v0  }
0x14b: {  	v0 =	vld [tilespmem:s17+$0xFFFFFFE0];
	_ =	sdelay $0x2  }
0x14c: {  	s30 =	simm.s32 $0x0  }
0x14d: {  	s20 =	sand.u32 $0x60, s20;
	s24 =	sand.u32 $0x1F00, s30  }
0x14e: {  	s20 =	sor.u32 s20, s24;
	v0 =	vmax.f32 v0, $0.0e+00  }
0x14f: {  	[tilespmem:s20+$0x9200] =	vst v0  }
0x150: {  	v0 =	vld [tilespmem:s17+$0xFFFFFFF0];
	_ =	sdelay $0x2  }
0x151: {  	s25 =	simm.s32 $0x1020;
	s20 =	simm.s32 $0x810  }
0x152: {  	s23 =	sand.u32 $0x3F00, s25;
	s24 =	sand.u32 $0x70, s20  }
0x153: {  	s23 =	sor.u32 s24, s23;
	v0 =	vmax.f32 v0, $0.0e+00  }
0x154: {  	[tilespmem:s23+$0x8200] =	vst v0  }
0x155: {  	v0 =	vld [tilespmem:s17+$0x0];
	_ =	sdelay $0x2  }
0x156: {  	s28 =	simm.s32 $0x0  }
0x157: {  	s21 =	sand.u32 $0x40, s30;
	s23 =	sand.u32 $0x3F00, s28  }
0x158: {  	s21 =	sor.u32 s21, s23;
	v0 =	vmax.f32 v0, $0.0e+00  }
0x159: {  	[tilespmem:s21+$0xB200] =	vst v0  }
0x15a: {  	v0 =	vld [tilespmem:s17+$0x10];
	_ =	sdelay $0x2  }
0x15b: {  	s29 =	simm.s32 $0x1810;
	s30 =	simm.s32 $0x3020  }
0x15c: {  	s23 =	sand.u32 $0x7F00, s30;
	s21 =	sand.u32 $0x50, s29  }
0x15d: {  	s21 =	sor.u32 s21, s23;
	v0 =	vmax.f32 v0, $0.0e+00  }
0x15e: {  	[tilespmem:s21+$0x8200] =	vst v0  }
0x15f: {  	v0 =	vld [tilespmem:s17+$0x20];
	_ =	sdelay $0x2  }
0x160: {  	s25 =	simm.s32 $0x3040;
	s24 =	simm.s32 $0x1820  }
0x161: {  	s23 =	sand.u32 $0x7F00, s25;
	s21 =	sand.u32 $0x60, s24  }
0x162: {  	s21 =	sor.u32 s21, s23;
	v0 =	vmax.f32 v0, $0.0e+00  }
0x163: {  	[tilespmem:s21+$0x8200] =	vst v0  }
0x164: {  	v0 =	vld [tilespmem:s17+$0x30];
	_ =	sdelay $0x2  }
0x165: {  	s28 =	simm.s32 $0x1830;
	s17 =	simm.s32 $0x3060  }
0x166: {  	s29 =	sand.u32 $0x70, s28;
	s30 =	sand.u32 $0x7F00, s17  }
0x167: {  	s23 =	simm.s32 $0x2B0;
	s21 =	simm.s32 $0x1870;
	s24 =	sor.u32 s29, s30;
	v0 =	vmax.f32 v0, $0.0e+00  }
.LBB2_14:
0x168: {  	[tilespmem:s24+$0x8200] =	vst v0;
	s17 =	sadd.s32 $0x80, s17;
	s20 =	sadd.s32 $0x20, s20;
	s4 =	sadd.s32 $0x10, s4  }
0x169: {  	p0 =	sne.s32 s21, $0x37F0;
	s24 =	smov.u32 s21;
	s21 =	sadd.s32 $0x40, s21;
	v0 =	vld [tilespmem:s23+$0xFFFFFFD0]  }
0x16a: {  	_ =	sdelay $0x1  }
0x16b: {  	s25 =	sadd.s32 $0xFFFFF7F0, s20  }
0x16c: {  	s28 =	sand.u32 $0x70, s4;
	s29 =	sand.u32 $0xF00, s25;
	s25 =	sand.u32 $0x60, s25  }
0x16d: {  	s28 =	sor.u32 s28, s29;
	v0 =	vmax.f32 v0, $0.0e+00  }
0x16e: {  	[tilespmem:s28+$0x8200] =	vst v0  }
0x16f: {  	v0 =	vld [tilespmem:s23+$0xFFFFFFE0];
	_ =	sdelay $0x2  }
0x170: {  	s28 =	sadd.s32 $0xFFFFE7D0, s24  }
0x171: {  	s29 =	sand.u32 $0x1F00, s28;
	s28 =	sand.u32 $0x40, s28  }
0x172: {  	s25 =	sor.u32 s25, s29;
	v0 =	vmax.f32 v0, $0.0e+00  }
0x173: {  	[tilespmem:s25+$0x9200] =	vst v0  }
0x174: {  	v0 =	vld [tilespmem:s23+$0xFFFFFFF0];
	_ =	sdelay $0x2  }
0x175: {  	s25 =	sadd.s32 $0xFFFFF7F0, s24  }
0x176: {  	s29 =	sand.u32 $0x70, s20;
	s25 =	sand.u32 $0x3F00, s25  }
0x177: {  	s25 =	sor.u32 s29, s25;
	v0 =	vmax.f32 v0, $0.0e+00  }
0x178: {  	[tilespmem:s25+$0x8200] =	vst v0  }
0x179: {  	v0 =	vld [tilespmem:s23+$0x0];
	_ =	sdelay $0x2  }
0x17a: {  	s25 =	sadd.s32 $0xFFFFCFA0, s17  }
0x17b: {  	s25 =	sand.u32 $0x3F00, s25  }
0x17c: {  	s25 =	sor.u32 s28, s25;
	v0 =	vmax.f32 v0, $0.0e+00  }
0x17d: {  	[tilespmem:s25+$0xB200] =	vst v0  }
0x17e: {  	v0 =	vld [tilespmem:s23+$0x10];
	_ =	sdelay $0x2  }
0x17f: {  	s28 =	sadd.s32 $0xFFFFFFC0, s17;
	s25 =	sadd.s32 $0xFFFFFFE0, s24  }
0x180: {  	s28 =	sand.u32 $0x7F00, s28;
	s25 =	sand.u32 $0x50, s25  }
0x181: {  	s25 =	sor.u32 s25, s28;
	v0 =	vmax.f32 v0, $0.0e+00  }
0x182: {  	[tilespmem:s25+$0x8200] =	vst v0  }
0x183: {  	v0 =	vld [tilespmem:s23+$0x20];
	_ =	sdelay $0x2  }
0x184: {  	s28 =	sadd.s32 $0xFFFFFFE0, s17;
	s25 =	sadd.s32 $0xFFFFFFF0, s24  }
0x185: {  	s28 =	sand.u32 $0x7F00, s28;
	s25 =	sand.u32 $0x60, s25  }
0x186: {  	s25 =	sor.u32 s25, s28;
	v0 =	vmax.f32 v0, $0.0e+00  }
0x187: {  	[tilespmem:s25+$0x8200] =	vst v0  }
0x188: {  	v0 =	vld [tilespmem:s23+$0x30]  }
.Ltmp6:
0x189: {  	(pc) =	sbr.rel @p0 .LBB2_14-.Ltmp6, $3  }
0x18a: {  	_ =	sdelay $0x1  }
0x18b: {  	s24 =	sand.u32 $0x70, s24;
	s25 =	sand.u32 $0x7F00, s17  }
0x18c: {  	s24 =	sor.u32 s24, s25;
	s23 =	sadd.s32 $0x80, s23;
	v0 =	vmax.f32 v0, $0.0e+00  }
0x18d: {  	[tilespmem:s24+$0x8200] =	vst v0;
	s4 =	simm.s32 $0x0;
	s17 =	simm.s32 $0x8200  }
0x18e: {  	[hbm4b:s11+s4] =	stream.linear.scatter [tilespmem:s17], [sflag:$0x3], $0x80, $0x38;
	[tilespmem:$0xF200] =	vst v63  }
0x18f: {  	s24 =	sadd.s32 $0x10, s11;
	s20 =	simm.s32 $0x8300  }
0x190: {  	[hbm4b:s24+s4] =	stream.linear.scatter [tilespmem:s20], [sflag:$0x3], $0x80, $0x38;
	[tilespmem:$0xF200] =	vst v63  }
0x191: {  	s25 =	sadd.s32 $0x20, s11;
	s28 =	simm.s32 $0x8400  }
0x192: {  	[hbm4b:s25+s4] =	stream.linear.scatter [tilespmem:s28], [sflag:$0x3], $0x80, $0x38;
	[tilespmem:$0xF200] =	vst v63  }
0x193: {  	s29 =	sadd.s32 $0x30, s11;
	s30 =	simm.s32 $0x8500  }
0x194: {  	[hbm4b:s29+s4] =	stream.linear.scatter [tilespmem:s30], [sflag:$0x3], $0x80, $0x38;
	[tilespmem:$0xF200] =	vst v63  }
0x195: {  	s21 =	simm.s32 $0x8600;
	s20 =	sadd.s32 $0x40, s11  }
0x196: {  	[hbm4b:s20+s4] =	stream.linear.scatter [tilespmem:s21], [sflag:$0x3], $0x80, $0x38;
	[tilespmem:$0xF200] =	vst v63  }
0x197: {  	s23 =	sadd.s32 $0x50, s11;
	s24 =	simm.s32 $0x8700  }
0x198: {  	[hbm4b:s23+s4] =	stream.linear.scatter [tilespmem:s24], [sflag:$0x3], $0x80, $0x38;
	[tilespmem:$0xF200] =	vst v63  }
0x199: {  	s25 =	sadd.s32 $0x60, s11;
	s28 =	simm.s32 $0x8800  }
0x19a: {  	[hbm4b:s25+s4] =	stream.linear.scatter [tilespmem:s28], [sflag:$0x3], $0x80, $0x38;
	[tilespmem:$0xF200] =	vst v63  }
0x19b: {  	s29 =	sadd.s32 $0x70, s11;
	s30 =	simm.s32 $0x8900  }
0x19c: {  	[hbm4b:s29+s4] =	stream.linear.scatter [tilespmem:s30], [sflag:$0x3], $0x80, $0x38;
	[tilespmem:$0xF200] =	vst v63  }
0x19d: {  	s20 =	sadd.s32 $0x80, s11;
	s21 =	simm.s32 $0x8A00  }
0x19e: {  	[hbm4b:s20+s4] =	stream.linear.scatter [tilespmem:s21], [sflag:$0x3], $0x80, $0x38;
	[tilespmem:$0xF200] =	vst v63  }
0x19f: {  	s23 =	sadd.s32 $0x90, s11;
	s24 =	simm.s32 $0x8B00  }
0x1a0: {  	[hbm4b:s23+s4] =	stream.linear.scatter [tilespmem:s24], [sflag:$0x3], $0x80, $0x38;
	[tilespmem:$0xF200] =	vst v63  }
0x1a1: {  	s25 =	sadd.s32 $0xA0, s11;
	s28 =	simm.s32 $0x8C00  }
0x1a2: {  	[hbm4b:s25+s4] =	stream.linear.scatter [tilespmem:s28], [sflag:$0x3], $0x80, $0x38;
	[tilespmem:$0xF200] =	vst v63  }
0x1a3: {  	s29 =	sadd.s32 $0xB0, s11;
	s30 =	simm.s32 $0x8D00  }
0x1a4: {  	[hbm4b:s29+s4] =	stream.linear.scatter [tilespmem:s30], [sflag:$0x3], $0x80, $0x38;
	[tilespmem:$0xF200] =	vst v63  }
0x1a5: {  	s20 =	sadd.s32 $0xC0, s11;
	s21 =	simm.s32 $0x8E00  }
0x1a6: {  	[hbm4b:s20+s4] =	stream.linear.scatter [tilespmem:s21], [sflag:$0x3], $0x80, $0x38;
	[tilespmem:$0xF200] =	vst v63  }
0x1a7: {  	s23 =	sadd.s32 $0xD0, s11;
	s24 =	simm.s32 $0x8F00  }
0x1a8: {  	[hbm4b:s23+s4] =	stream.linear.scatter [tilespmem:s24], [sflag:$0x3], $0x80, $0x38;
	[tilespmem:$0xF200] =	vst v63  }
0x1a9: {  	s25 =	sadd.s32 $0xE0, s11;
	s28 =	simm.s32 $0x9000  }
0x1aa: {  	[hbm4b:s25+s4] =	stream.linear.scatter [tilespmem:s28], [sflag:$0x3], $0x80, $0x38;
	[tilespmem:$0xF200] =	vst v63  }
0x1ab: {  	s17 =	simm.s32 $0x10;
	s29 =	sadd.s32 $0xF0, s11;
	s30 =	simm.s32 $0x9100  }
0x1ac: {  	[hbm4b:s29+s4] =	stream.linear.scatter [tilespmem:s30], [sflag:$0x3], $0x80, $0x38;
	[tilespmem:$0xF200] =	vst v63  }
0x1ad: {  	s21 =	sadd.s32 $0x0, s12;
	s20 =	simm.s32 $0x9300;
	s4 =	simm.s32 $0x9200  }
.LBB2_16:
0x1ae: {  	[hbm4b:s21+s2] =	stream.linear.scatter [tilespmem:s4], [sflag:$0x3], $0x80, $0x38;
	[tilespmem:$0xF200] =	vst v63  }
0x1af: {  	s21 =	smov.u32 s17;
	s4 =	smov.u32 s20;
	p0 =	sne.s32 s17, $0x1F0  }
.Ltmp7:
0x1b0: {  	s17 =	sadd.s32 $0x10, s17;
	(pc) =	sbr.rel @p0 .LBB2_16-.Ltmp7, $2  }
0x1b1: {  	_ =	sdelay $0x2  }
0x1b2: {  	s20 =	sadd.s32 $0x100, s20;
	s21 =	sadd.s32 s21, s12  }
0x1b3: {  	[hbm4b:s21+s2] =	stream.linear.scatter [tilespmem:s4], [sflag:$0x3], $0x80, $0x38;
	[tilespmem:$0xF200] =	vst v63  }
0x1b4: {  	s4 =	simm.s32 $0xB200  }
0x1b5: {  	s17 =	simm.s32 $0x10;
	s21 =	sadd.s32 $0x0, s13;
	s20 =	simm.s32 $0xB300  }
.LBB2_18:
0x1b6: {  	[hbm4b:s21+s2] =	stream.linear.scatter [tilespmem:s4], [sflag:$0x3], $0x80, $0x38;
	[tilespmem:$0xF200] =	vst v63  }
0x1b7: {  	s21 =	smov.u32 s17;
	s4 =	smov.u32 s20;
	p0 =	sne.s32 s17, $0x3F0  }
.Ltmp8:
0x1b8: {  	s17 =	sadd.s32 $0x10, s17;
	(pc) =	sbr.rel @p0 .LBB2_18-.Ltmp8, $2  }
0x1b9: {  	_ =	sdelay $0x2  }
0x1ba: {  	s20 =	sadd.s32 $0x100, s20;
	s21 =	sadd.s32 s21, s13  }
0x1bb: {  	[hbm4b:s21+s2] =	stream.linear.scatter [tilespmem:s4], [sflag:$0x3], $0x80, $0x38;
	[tilespmem:$0xF200] =	vst v63  }
0x1bc: {  	_ =	swait.ge [sflag:s26], $0x4000  }
0x1bd: {  	[sflag:s26] =	ssyncset.done $0x0  }
0x1be: {  	[sflag:s26] =	ssyncadd.s32 $0xFFFFC000  }
0x1bf: {  	_ =	swait.ge [sflag:s0], $0x800  }
0x1c0: {  	[sflag:s0] =	ssyncset.done $0x0  }
0x1c1: {  	[sflag:s0] =	ssyncadd.s32 $0xFFFFF800  }
0x1c2: {  	_ =	swait.ge [sflag:s0], $0x1000  }
0x1c3: {  	[sflag:s0] =	ssyncset.done $0x0  }
0x1c4: {  	[sflag:s0] =	ssyncadd.s32 $0xFFFFF000  }
0x1c5: {  	_ =	swait.ge [sflag:s0], $0x2000  }
0x1c6: {  	[sflag:s0] =	ssyncset.done $0x0  }
0x1c7: {  	s4 =	simm.s32 $0x0;
	[sflag:s0] =	ssyncadd.s32 $0xFFFFE000  }
0x1c8: {  	v0 =	vld [tilespmem:s4+$0x4200];
	_ =	sdelay $0x2  }
0x1c9: {  	s17 =	simm.s32 $0x0;
	s20 =	simm.s32 $0x0  }
0x1ca: {  	s17 =	sand.u32 $0x70, s17;
	s30 =	sand.u32 $0xF00, s20  }
0x1cb: {  	s17 =	sor.u32 s17, s30;
	v0 =	vmax.f32 v0, $0.0e+00  }
0x1cc: {  	[tilespmem:s17+$0x8280] =	vst v0  }
0x1cd: {  	v0 =	vld [tilespmem:s4+$0x4210];
	_ =	sdelay $0x2  }
0x1ce: {  	s17 =	simm.s32 $0x0  }
0x1cf: {  	s20 =	sand.u32 $0x60, s20;
	s23 =	sand.u32 $0x1F00, s17  }
0x1d0: {  	s20 =	sor.u32 s20, s23;
	v0 =	vmax.f32 v0, $0.0e+00  }
0x1d1: {  	[tilespmem:s20+$0x9280] =	vst v0  }
0x1d2: {  	v0 =	vld [tilespmem:s4+$0x4220];
	_ =	sdelay $0x2  }
0x1d3: {  	s24 =	simm.s32 $0x810;
	s25 =	simm.s32 $0x1020  }
0x1d4: {  	s21 =	sand.u32 $0x3F00, s25;
	s20 =	sand.u32 $0x70, s24  }
0x1d5: {  	s20 =	sor.u32 s20, s21;
	v0 =	vmax.f32 v0, $0.0e+00  }
0x1d6: {  	[tilespmem:s20+$0x8280] =	vst v0  }
0x1d7: {  	v0 =	vld [tilespmem:s4+$0x4230];
	_ =	sdelay $0x2  }
0x1d8: {  	s30 =	simm.s32 $0x0  }
0x1d9: {  	s17 =	sand.u32 $0x40, s17;
	s20 =	sand.u32 $0x3F00, s30  }
0x1da: {  	s17 =	sor.u32 s17, s20;
	v0 =	vmax.f32 v0, $0.0e+00  }
0x1db: {  	[tilespmem:s17+$0xB280] =	vst v0  }
0x1dc: {  	v0 =	vld [tilespmem:s4+$0x4240];
	_ =	sdelay $0x2  }
0x1dd: {  	s21 =	simm.s32 $0x3020;
	s20 =	simm.s32 $0x1810  }
0x1de: {  	s17 =	sand.u32 $0x50, s20;
	s20 =	sand.u32 $0x7F00, s21  }
0x1df: {  	s17 =	sor.u32 s17, s20;
	v0 =	vmax.f32 v0, $0.0e+00  }
0x1e0: {  	[tilespmem:s17+$0x8280] =	vst v0  }
0x1e1: {  	v0 =	vld [tilespmem:s4+$0x4250];
	_ =	sdelay $0x2  }
0x1e2: {  	s23 =	simm.s32 $0x1820;
	s24 =	simm.s32 $0x3040  }
0x1e3: {  	s20 =	sand.u32 $0x7F00, s24;
	s17 =	sand.u32 $0x60, s23  }
0x1e4: {  	s17 =	sor.u32 s17, s20;
	v0 =	vmax.f32 v0, $0.0e+00  }
0x1e5: {  	[tilespmem:s17+$0x8280] =	vst v0  }
0x1e6: {  	v0 =	vld [tilespmem:s4+$0x4260];
	_ =	sdelay $0x1  }
0x1e7: {  	s28 =	simm.s32 $0x400  }
0x1e8: {  	s25 =	simm.s32 $0x1830;
	s21 =	simm.s32 $0x830;
	s20 =	simm.s32 $0x3060  }
0x1e9: {  	s23 =	simm.s32 $0x200;
	s30 =	sand.u32 $0x7F00, s20;
	s4 =	sand.u32 $0x70, s25  }
0x1ea: {  	s17 =	simm.s32 $0x10;
	s29 =	sor.u32 s4, s30;
	s4 =	simm.s32 $0x1870;
	v0 =	vmax.f32 v0, $0.0e+00  }
.LBB2_20:
0x1eb: {  	s25 =	sshra.s32 s23, $0x2  }
0x1ec: {  	[tilespmem:s29+$0x8280] =	vst v0;
	s20 =	sadd.s32 $0x80, s20;
	s23 =	smov.u32 s28;
	s24 =	sadd.s32 $0x200, s28  }
0x1ed: {  	p0 =	sne.s32 s28, $0xFE00;
	v0 =	vld [tilespmem:s25+$0x4200];
	_ =	sdelay $0x2  }
0x1ee: {  	s28 =	sadd.s32 $0xFFFFF7F0, s21  }
0x1ef: {  	s29 =	sand.u32 $0x70, s17;
	s30 =	sand.u32 $0xF00, s28;
	s28 =	sand.u32 $0x60, s28  }
0x1f0: {  	s29 =	sor.u32 s29, s30;
	v0 =	vmax.f32 v0, $0.0e+00  }
0x1f1: {  	[tilespmem:s29+$0x8280] =	vst v0  }
0x1f2: {  	v0 =	vld [tilespmem:s25+$0x4210];
	_ =	sdelay $0x2  }
0x1f3: {  	s29 =	sadd.s32 $0xFFFFE7D0, s4  }
0x1f4: {  	s30 =	sand.u32 $0x1F00, s29;
	s29 =	sand.u32 $0x40, s29  }
0x1f5: {  	s28 =	sor.u32 s28, s30;
	v0 =	vmax.f32 v0, $0.0e+00  }
0x1f6: {  	[tilespmem:s28+$0x9280] =	vst v0  }
0x1f7: {  	v0 =	vld [tilespmem:s25+$0x4220];
	_ =	sdelay $0x2  }
0x1f8: {  	s28 =	sadd.s32 $0xFFFFF7F0, s4  }
0x1f9: {  	s30 =	sand.u32 $0x70, s21;
	s28 =	sand.u32 $0x3F00, s28  }
0x1fa: {  	s28 =	sor.u32 s30, s28;
	v0 =	vmax.f32 v0, $0.0e+00  }
0x1fb: {  	[tilespmem:s28+$0x8280] =	vst v0  }
0x1fc: {  	v0 =	vld [tilespmem:s25+$0x4230];
	_ =	sdelay $0x2  }
0x1fd: {  	s28 =	sadd.s32 $0xFFFFCFA0, s20  }
0x1fe: {  	s28 =	sand.u32 $0x3F00, s28  }
0x1ff: {  	s28 =	sor.u32 s29, s28;
	v0 =	vmax.f32 v0, $0.0e+00  }
0x200: {  	[tilespmem:s28+$0xB280] =	vst v0  }
0x201: {  	v0 =	vld [tilespmem:s25+$0x4240];
	_ =	sdelay $0x2  }
0x202: {  	s29 =	sadd.s32 $0xFFFFFFC0, s20;
	s28 =	sadd.s32 $0xFFFFFFE0, s4  }
0x203: {  	s29 =	sand.u32 $0x7F00, s29;
	s28 =	sand.u32 $0x50, s28  }
0x204: {  	s28 =	sor.u32 s28, s29;
	v0 =	vmax.f32 v0, $0.0e+00  }
0x205: {  	[tilespmem:s28+$0x8280] =	vst v0  }
0x206: {  	v0 =	vld [tilespmem:s25+$0x4250];
	_ =	sdelay $0x2  }
0x207: {  	s29 =	sadd.s32 $0xFFFFFFE0, s20;
	s28 =	sadd.s32 $0xFFFFFFF0, s4  }
0x208: {  	s29 =	sand.u32 $0x7F00, s29;
	s28 =	sand.u32 $0x60, s28  }
0x209: {  	s28 =	sor.u32 s28, s29;
	v0 =	vmax.f32 v0, $0.0e+00  }
0x20a: {  	[tilespmem:s28+$0x8280] =	vst v0  }
0x20b: {  	v0 =	vld [tilespmem:s25+$0x4260]  }
.Ltmp9:
0x20c: {  	(pc) =	sbr.rel @p0 .LBB2_20-.Ltmp9, $4  }
0x20d: {  	_ = 	snop  }
0x20e: {  	s17 =	sadd.s32 $0x10, s17  }
0x20f: {  	s21 =	sadd.s32 $0x20, s21;
	s28 =	sand.u32 $0x7F00, s20;
	s25 =	sand.u32 $0x70, s4  }
0x210: {  	s4 =	sadd.s32 $0x40, s4;
	s29 =	sor.u32 s25, s28;
	s28 =	smov.u32 s24;
	v0 =	vmax.f32 v0, $0.0e+00  }
0x211: {  	s23 =	sshra.s32 s23, $0x2;
	[tilespmem:s29+$0x8280] =	vst v0  }
0x212: {  	v0 =	vld [tilespmem:s23+$0x4200];
	_ =	sdelay $0x2  }
0x213: {  	s24 =	sadd.s32 $0xFFFFF7F0, s21  }
0x214: {  	s17 =	sand.u32 $0x70, s17;
	s25 =	sand.u32 $0xF00, s24  }
0x215: {  	s17 =	sor.u32 s17, s25;
	v0 =	vmax.f32 v0, $0.0e+00  }
0x216: {  	[tilespmem:s17+$0x8280] =	vst v0  }
0x217: {  	v0 =	vld [tilespmem:s23+$0x4210];
	_ =	sdelay $0x2  }
0x218: {  	s17 =	sadd.s32 $0xFFFFE7D0, s4  }
0x219: {  	s24 =	sand.u32 $0x60, s24;
	s28 =	sand.u32 $0x1F00, s17  }
0x21a: {  	s24 =	sor.u32 s24, s28;
	v0 =	vmax.f32 v0, $0.0e+00  }
0x21b: {  	[tilespmem:s24+$0x9280] =	vst v0  }
0x21c: {  	v0 =	vld [tilespmem:s23+$0x4220];
	_ =	sdelay $0x2  }
0x21d: {  	s29 =	sadd.s32 $0xFFFFF7F0, s4  }
0x21e: {  	s30 =	sand.u32 $0x70, s21;
	s24 =	sand.u32 $0x3F00, s29  }
0x21f: {  	s21 =	sor.u32 s30, s24;
	v0 =	vmax.f32 v0, $0.0e+00  }
0x220: {  	[tilespmem:s21+$0x8280] =	vst v0  }
0x221: {  	v0 =	vld [tilespmem:s23+$0x4230];
	_ =	sdelay $0x1  }
0x222: {  	s20 =	sadd.s32 $0x80, s20  }
0x223: {  	s24 =	sadd.s32 $0xFFFFCFA0, s20  }
0x224: {  	s17 =	sand.u32 $0x40, s17;
	s21 =	sand.u32 $0x3F00, s24  }
0x225: {  	s17 =	sor.u32 s17, s21;
	v0 =	vmax.f32 v0, $0.0e+00  }
0x226: {  	[tilespmem:s17+$0xB280] =	vst v0  }
0x227: {  	v0 =	vld [tilespmem:s23+$0x4240];
	_ =	sdelay $0x2  }
0x228: {  	s25 =	sadd.s32 $0xFFFFFFE0, s4;
	s28 =	sadd.s32 $0xFFFFFFC0, s20  }
0x229: {  	s21 =	sand.u32 $0x7F00, s28;
	s17 =	sand.u32 $0x50, s25  }
0x22a: {  	s17 =	sor.u32 s17, s21;
	v0 =	vmax.f32 v0, $0.0e+00  }
0x22b: {  	[tilespmem:s17+$0x8280] =	vst v0  }
0x22c: {  	v0 =	vld [tilespmem:s23+$0x4250];
	_ =	sdelay $0x2  }
0x22d: {  	s29 =	sadd.s32 $0xFFFFFFF0, s4;
	s30 =	sadd.s32 $0xFFFFFFE0, s20  }
0x22e: {  	s21 =	sand.u32 $0x7F00, s30;
	s17 =	sand.u32 $0x60, s29  }
0x22f: {  	s17 =	sor.u32 s17, s21;
	v0 =	vmax.f32 v0, $0.0e+00  }
0x230: {  	[tilespmem:s17+$0x8280] =	vst v0  }
0x231: {  	v0 =	vld [tilespmem:s23+$0x4260];
	_ =	sdelay $0x3  }
0x232: {  	s20 =	sand.u32 $0x7F00, s20;
	s17 =	sand.u32 $0x70, s4  }
0x233: {  	s4 =	sor.u32 s17, s20;
	v0 =	vmax.f32 v0, $0.0e+00  }
0x234: {  	s21 =	simm.s32 $0x8280;
	[tilespmem:s4+$0x8280] =	vst v0;
	s4 =	simm.s32 $0x0  }
0x235: {  	[hbm4b:s14+s4] =	stream.linear.scatter [tilespmem:s21], [sflag:$0x4], $0x80, $0x38;
	[tilespmem:$0xF200] =	vst v63  }
0x236: {  	s24 =	simm.s32 $0x8380;
	s23 =	sadd.s32 $0x10, s14  }
0x237: {  	[hbm4b:s23+s4] =	stream.linear.scatter [tilespmem:s24], [sflag:$0x4], $0x80, $0x38;
	[tilespmem:$0xF200] =	vst v63  }
0x238: {  	s28 =	simm.s32 $0x8480;
	s25 =	sadd.s32 $0x20, s14  }
0x239: {  	[hbm4b:s25+s4] =	stream.linear.scatter [tilespmem:s28], [sflag:$0x4], $0x80, $0x38;
	[tilespmem:$0xF200] =	vst v63  }
0x23a: {  	s30 =	simm.s32 $0x8580;
	s29 =	sadd.s32 $0x30, s14  }
0x23b: {  	[hbm4b:s29+s4] =	stream.linear.scatter [tilespmem:s30], [sflag:$0x4], $0x80, $0x38;
	[tilespmem:$0xF200] =	vst v63  }
0x23c: {  	s20 =	sadd.s32 $0x40, s14;
	s21 =	simm.s32 $0x8680  }
0x23d: {  	[hbm4b:s20+s4] =	stream.linear.scatter [tilespmem:s21], [sflag:$0x4], $0x80, $0x38;
	[tilespmem:$0xF200] =	vst v63  }
0x23e: {  	s23 =	sadd.s32 $0x50, s14;
	s24 =	simm.s32 $0x8780  }
0x23f: {  	[hbm4b:s23+s4] =	stream.linear.scatter [tilespmem:s24], [sflag:$0x4], $0x80, $0x38;
	[tilespmem:$0xF200] =	vst v63  }
0x240: {  	s25 =	sadd.s32 $0x60, s14;
	s28 =	simm.s32 $0x8880  }
0x241: {  	[hbm4b:s25+s4] =	stream.linear.scatter [tilespmem:s28], [sflag:$0x4], $0x80, $0x38;
	[tilespmem:$0xF200] =	vst v63  }
0x242: {  	s29 =	sadd.s32 $0x70, s14;
	s30 =	simm.s32 $0x8980  }
0x243: {  	[hbm4b:s29+s4] =	stream.linear.scatter [tilespmem:s30], [sflag:$0x4], $0x80, $0x38;
	[tilespmem:$0xF200] =	vst v63  }
0x244: {  	s20 =	sadd.s32 $0x80, s14;
	s21 =	simm.s32 $0x8A80  }
0x245: {  	[hbm4b:s20+s4] =	stream.linear.scatter [tilespmem:s21], [sflag:$0x4], $0x80, $0x38;
	[tilespmem:$0xF200] =	vst v63  }
0x246: {  	s23 =	sadd.s32 $0x90, s14;
	s24 =	simm.s32 $0x8B80  }
0x247: {  	[hbm4b:s23+s4] =	stream.linear.scatter [tilespmem:s24], [sflag:$0x4], $0x80, $0x38;
	[tilespmem:$0xF200] =	vst v63  }
0x248: {  	s25 =	sadd.s32 $0xA0, s14;
	s28 =	simm.s32 $0x8C80  }
0x249: {  	[hbm4b:s25+s4] =	stream.linear.scatter [tilespmem:s28], [sflag:$0x4], $0x80, $0x38;
	[tilespmem:$0xF200] =	vst v63  }
0x24a: {  	s29 =	sadd.s32 $0xB0, s14;
	s30 =	simm.s32 $0x8D80  }
0x24b: {  	[hbm4b:s29+s4] =	stream.linear.scatter [tilespmem:s30], [sflag:$0x4], $0x80, $0x38;
	[tilespmem:$0xF200] =	vst v63  }
0x24c: {  	s20 =	sadd.s32 $0xC0, s14;
	s21 =	simm.s32 $0x8E80  }
0x24d: {  	[hbm4b:s20+s4] =	stream.linear.scatter [tilespmem:s21], [sflag:$0x4], $0x80, $0x38;
	[tilespmem:$0xF200] =	vst v63  }
0x24e: {  	s23 =	sadd.s32 $0xD0, s14;
	s24 =	simm.s32 $0x8F80  }
0x24f: {  	[hbm4b:s23+s4] =	stream.linear.scatter [tilespmem:s24], [sflag:$0x4], $0x80, $0x38;
	[tilespmem:$0xF200] =	vst v63  }
0x250: {  	s25 =	sadd.s32 $0xE0, s14;
	s28 =	simm.s32 $0x9080  }
0x251: {  	[hbm4b:s25+s4] =	stream.linear.scatter [tilespmem:s28], [sflag:$0x4], $0x80, $0x38;
	[tilespmem:$0xF200] =	vst v63  }
0x252: {  	s17 =	simm.s32 $0x10;
	s29 =	sadd.s32 $0xF0, s14;
	s30 =	simm.s32 $0x9180  }
0x253: {  	[hbm4b:s29+s4] =	stream.linear.scatter [tilespmem:s30], [sflag:$0x4], $0x80, $0x38;
	[tilespmem:$0xF200] =	vst v63  }
0x254: {  	s21 =	sadd.s32 $0x0, s15;
	s20 =	simm.s32 $0x9380;
	s4 =	simm.s32 $0x9280  }
.LBB2_22:
0x255: {  	[hbm4b:s21+s2] =	stream.linear.scatter [tilespmem:s4], [sflag:$0x4], $0x80, $0x38;
	[tilespmem:$0xF200] =	vst v63  }
0x256: {  	s21 =	smov.u32 s17;
	s4 =	smov.u32 s20;
	p0 =	sne.s32 s17, $0x1F0  }
.Ltmp10:
0x257: {  	s17 =	sadd.s32 $0x10, s17;
	(pc) =	sbr.rel @p0 .LBB2_22-.Ltmp10, $2  }
0x258: {  	_ =	sdelay $0x2  }
0x259: {  	s20 =	sadd.s32 $0x100, s20;
	s21 =	sadd.s32 s21, s15  }
0x25a: {  	[hbm4b:s21+s2] =	stream.linear.scatter [tilespmem:s4], [sflag:$0x4], $0x80, $0x38;
	[tilespmem:$0xF200] =	vst v63  }
0x25b: {  	s4 =	simm.s32 $0xB280;
	s17 =	simm.s32 $0x10  }
0x25c: {  	s21 =	sadd.s32 $0x0, s16;
	s20 =	simm.s32 $0xB380;
	s30 =	simm.s32 $0x200  }
.LBB2_24:
0x25d: {  	[hbm4b:s21+s2] =	stream.linear.scatter [tilespmem:s4], [sflag:$0x4], $0x80, $0x38;
	[tilespmem:$0xF200] =	vst v63  }
0x25e: {  	s21 =	smov.u32 s17;
	s4 =	smov.u32 s20;
	p0 =	sne.s32 s17, $0x3F0  }
.Ltmp11:
0x25f: {  	s17 =	sadd.s32 $0x10, s17;
	(pc) =	sbr.rel @p0 .LBB2_24-.Ltmp11, $2  }
0x260: {  	_ =	sdelay $0x2  }
0x261: {  	s20 =	sadd.s32 $0x100, s20;
	s21 =	sadd.s32 s21, s16  }
0x262: {  	[hbm4b:s21+s2] =	stream.linear.scatter [tilespmem:s4], [sflag:$0x4], $0x80, $0x38;
	[tilespmem:$0xF200] =	vst v63  }
0x263: {  	_ =	swait.ge [sflag:s31], $0x800  }
0x264: {  	[sflag:s31] =	ssyncset.done $0x0  }
0x265: {  	[sflag:s31] =	ssyncadd.s32 $0xFFFFF800  }
0x266: {  	_ =	swait.ge [sflag:s31], $0x1000  }
0x267: {  	[sflag:s31] =	ssyncset.done $0x0  }
0x268: {  	[sflag:s31] =	ssyncadd.s32 $0xFFFFF000  }
0x269: {  	_ =	swait.ge [sflag:s31], $0x2000  }
0x26a: {  	[sflag:s31] =	ssyncset.done $0x0  }
0x26b: {  	[sflag:s31] =	ssyncadd.s32 $0xFFFFE000  }
0x26c: {  	_ =	swait.ge [sflag:s0], $0x800  }
0x26d: {  	[sflag:s0] =	ssyncset.done $0x0  }
0x26e: {  	[sflag:s0] =	ssyncadd.s32 $0xFFFFF800  }
0x26f: {  	_ =	swait.ge [sflag:s0], $0x1000  }
0x270: {  	[sflag:s0] =	ssyncset.done $0x0  }
0x271: {  	[sflag:s0] =	ssyncadd.s32 $0xFFFFF000  }
0x272: {  	_ =	swait.ge [sflag:s0], $0x2000  }
0x273: {  	s1 =	sadd.s32 $0x1, s1;
	s29 =	rddreg [dreg:$0x7]  }
0x274: {  	p0 =	sne.s32 s1, s29  }
.Ltmp12:
0x275: {  	_ = 	snop;
	(pc) =	sbr.rel @p0 .LBB2_1-.Ltmp12, $3  }
0x276: {  	_ =	sdelay $0x1  }
0x277: {  	[sflag:s0] =	ssyncset.done $0x0  }
0x278: {  	[sflag:s0] =	ssyncadd.s32 $0xFFFFE000  }
0x279: {  	_ =	sfence.sel $0x180000  }
0x27a: {  	[bflag:$0x0] =	sbarrier.arrive $0xFFFF  }
0x27b: {  	_ =	strace $0x90000047  }
0x27c: {  	s0 =	stileid.u32;
	[bflag:$0x2] =	sbarrier.arrive $0xFFFF  }
0x27d: {  	p0 =	sne.s32 s0, $0x0;
	s0 =	rddreg [dreg:$0x5]  }
0x27e: {  	s0 =	sadd.s32 @!p0 $0x100000, s0  }
0x27f: {  	[sflag:s0] =	ssyncadd.tile.s32 @!p0 $0x1;
	_ =	shalt  }
.Lfunc_end2:
_tile_overlayer_lowered:
.L_overlay_start_2:
0x280: {  	(tag) =	ssettag $0x2  }
0x281: {  	s0 =	rddreg [dreg:$0x0];
	s2 =	stileid.u32  }
0x282: {  	s1 =	rddreg [dreg:$0x1];
	p0 =	sne.s32 s2, $0x0  }
0x283: {  	s3 =	rddreg [dreg:$0x2];
	[bflag:$0x3] =	sbarrier.arrive $0xFFFF;
	s2 =	simm.s32 @!p0 $0x1C05  }
0x284: {  	[timem:s3], [sflag:s2] =	dma.local @!p0 [hbm:s0], s1  }
0x285: {  	s0 =	simm.s32 @!p0 $0x5  }
0x286: {  	_ =	swait.ge @!p0 [sflag:s0], s1  }
0x287: {  	s1 =	ssub.s32 @!p0 $0x0, s1;
	[sflag:s0] =	ssyncset.done @!p0 $0x0  }
0x288: {  	[sflag:s0] =	ssyncadd.s32 @!p0 s1  }
0x289: {  	[bflag:$0x3] =	sbarrier.arrive $0xFFFF  }
0x28a: {  	_ =	shalt  }

</sc_bundles>
